<compile_context>
chip_gen: v7x
topology: tpu7x:2x2x1
jax: 0.10.2.dev20260603
libtpu: 0.0.44.dev20260713+nightly
codegen_flags: <defaults>
</compile_context>

<pallas_src>
import functools

import jax
import jax.numpy as jnp
from jax import lax
from jax.experimental import pallas as pl
from jax.experimental.pallas import tpu as pltpu
from jax.experimental.pallas import tpu_sc as plsc

EMB = 2048
NE = 16
NTOK = 16384
TC_BLK = 2048
SUB = TC_BLK // 512
NW = 32
TOK_PER_W = NTOK // NW
LANES = 16
GROUPS = TOK_PER_W // LANES


def _tc_scores_body(x_ref, w_ref, b_ref, out_ref):
    for j in range(SUB):
        s = lax.dot_general(
            w_ref[...], x_ref[pl.ds(j * 512, 512), :],
            (((1,), (1,)), ((), ())),
            preferred_element_type=jnp.float32,
            precision=lax.Precision.DEFAULT,
        )
        out_ref[j] = s + b_ref[...]


def _tc_scores(x, W, b2):
    return pl.pallas_call(
        _tc_scores_body,
        grid=(NTOK // TC_BLK,),
        in_specs=[
            pl.BlockSpec((TC_BLK, EMB), lambda i: (i, 0)),
            pl.BlockSpec((NE, EMB), lambda i: (0, 0)),
            pl.BlockSpec((NE, 1), lambda i: (0, 0)),
        ],
        out_specs=pl.BlockSpec((SUB, NE, 512), lambda i: (i, 0, 0)),
        out_shape=jax.ShapeDtypeStruct((NW, NE, TOK_PER_W), jnp.float32),
        compiler_params=pltpu.CompilerParams(
            dimension_semantics=("parallel",)),
    )(x, W, b2)


def _sc_topk(scores):
    mesh = plsc.VectorSubcoreMesh(core_axis_name="c", subcore_axis_name="s")

    @functools.partial(
        pl.kernel,
        mesh=mesh,
        out_type=jax.ShapeDtypeStruct((NW, 4, TOK_PER_W), jnp.float32),
        scratch_types=[
            pltpu.VMEM((NE, TOK_PER_W), jnp.float32),
            pltpu.VMEM((4, TOK_PER_W), jnp.float32),
        ],
    )
    def k(scores_hbm, out_hbm, sc_v, out_v):
        wid = lax.axis_index("s") * 2 + lax.axis_index("c")
        pltpu.sync_copy(scores_hbm.at[wid], sc_v)

        def tournament(m, i):
            while len(m) > 1:
                nm, ni = [], []
                for a in range(0, len(m), 2):
                    gt = m[a + 1] > m[a]
                    nm.append(jnp.where(gt, m[a + 1], m[a]))
                    ni.append(jnp.where(gt, i[a + 1], i[a]))
                m, i = nm, ni
            return m[0], i[0]

        @plsc.parallel_loop(0, GROUPS, 1, unroll=2)
        def group(g):
            col = pl.ds(pl.multiple_of(g * LANES, LANES), LANES)
            regs = [sc_v[e, col] for e in range(NE)]
            idxs = [jnp.full((LANES,), e, jnp.int32) for e in range(NE)]
            m1, i1 = tournament(list(regs), list(idxs))
            neg = jnp.float32(-jnp.inf)
            masked = [jnp.where(i1 == e, neg, regs[e]) for e in range(NE)]
            m2, i2 = tournament(masked, list(idxs))
            e2 = jnp.exp(m2 - m1)
            den = e2 + jnp.float32(1.0)
            out_v[0, col] = jnp.float32(1.0) / den
            out_v[1, col] = e2 / den
            out_v[2, col] = lax.bitcast_convert_type(i1, jnp.float32)
            out_v[3, col] = lax.bitcast_convert_type(i2, jnp.float32)
        pltpu.sync_copy(out_v, out_hbm.at[wid])

    return k(scores)


def kernel(x, W, b):
    scores = _tc_scores(x, W, jnp.reshape(b, (NE, 1)))
    out = _sc_topk(scores)
    v1 = out[:, 0, :].reshape(NTOK)
    v2 = out[:, 1, :].reshape(NTOK)
    i1 = out[:, 2, :].reshape(NTOK).view(jnp.int32)
    i2 = out[:, 3, :].reshape(NTOK).view(jnp.int32)
    values = jnp.stack([v1, v2], axis=-1)
    indices = jnp.stack([i1, i2], axis=-1)
    return values, indices

# --- scband reference (transcript-rebuilt; emitter-appended) ---
"""Pipeline reference for scband-mo-erouter-51616916963671 (READ-ONLY COPY).

The authoritative reference and input builder live on the scoring server;
editing this copy changes nothing except your own understanding.
"""

import jax, jax.numpy as jnp
import numpy as np

EMB_DIM = 2048
N_EXPERTS = 16
TOP_K = 2
NORM_TOPK = True

def setup_inputs(seed: int = 0) -> dict:
    key = jax.random.key(seed)
    k1, k2, k3 = jax.random.split(key, 3)
    x = jax.random.normal(k1, (16384, EMB_DIM), dtype=jnp.float32)
    # nn.Linear(emb_dim, n_experts): weight [n_experts, emb_dim], bias [n_experts]
    bound = 1.0 / np.sqrt(EMB_DIM)
    W = jax.random.uniform(k2, (N_EXPERTS, EMB_DIM), dtype=jnp.float32, minval=-bound, maxval=bound)
    b = jax.random.uniform(k3, (N_EXPERTS,), dtype=jnp.float32, minval=-bound, maxval=bound)
    return {"x": x, "W": W, "b": b}

def reference(x, W, b):
    router_scores = x @ W.T + b
    values, indices = jax.lax.top_k(router_scores, TOP_K)
    if NORM_TOPK:
        values = jax.nn.softmax(values, axis=-1)
    return (values, indices)

if __name__ == "__main__":
    import jax
    _d = setup_inputs()
    print(jax.jit(kernel)(*tuple(_d.values())))

</pallas_src>

<mosaic_0001>
#map = affine_map<(d0, d1) -> (0, 0, 0)>
module attributes {stable_mosaic.version = 14 : i64} {
  func.func @k(%arg0: i32, %arg1: i32, %arg2: memref<32x16x512xf32, #tpu.memory_space<hbm>>, %arg3: memref<32x4x512xf32, #tpu.memory_space<hbm>>, %arg4: memref<16x512xf32, #tpu.memory_space<vmem>>, %arg5: memref<4x512xf32, #tpu.memory_space<vmem>>) attributes {dimension_semantics = [#tpu.dimension_semantics<core_parallel>, #tpu.dimension_semantics<subcore_parallel>], iteration_bounds = array<i64: 2, 16>, scalar_prefetch = 0 : i64, scratch_operands = 2 : i64, tpu.core_type = #tpu.core_type<sc_vector_subcore>, window_params = [{transform_indices = #map}, {transform_indices = #map}]} {
    %mul3A = arith.constant 2 : i32
    %mul3A_0 = arith.muli %arg1, %mul3A : i32
    %add3A = arith.addi %mul3A_0, %arg0 : i32
    "tpu.region"() ({
      %run_scoped3A = tpu.sem_alloc : memref<!tpu.dma_semaphore, #tpu.memory_space<semaphore_mem>>
      %dma_start3A = arith.constant 0 : i32
      %dma_start3A_3 = arith.constant 0 : i32
      %dma_start3A_4 = tpu.memref_slice %arg2[%add3A, %dma_start3A, %dma_start3A_3] : memref<32x16x512xf32, #tpu.memory_space<hbm>> -> memref<1x16x512xf32, #tpu.memory_space<hbm>>
      %dma_start3A_5 = tpu.memref_squeeze %dma_start3A_4 : memref<1x16x512xf32, #tpu.memory_space<hbm>> -> memref<16x512xf32, #tpu.memory_space<hbm>>
      %dma_start3A_6 = arith.constant 0 : i32
      %dma_start3A_7 = arith.constant 0 : i32
      %dma_start3A_8 = tpu.memref_slice %arg2[%add3A, %dma_start3A_6, %dma_start3A_7] : memref<32x16x512xf32, #tpu.memory_space<hbm>> -> memref<1x16x512xf32, #tpu.memory_space<hbm>>
      %dma_start3A_9 = tpu.memref_squeeze %dma_start3A_8 : memref<1x16x512xf32, #tpu.memory_space<hbm>> -> memref<16x512xf32, #tpu.memory_space<hbm>>
      tpu.enqueue_dma source(%dma_start3A_9 : memref<16x512xf32, #tpu.memory_space<hbm>>) target(%arg4 : memref<16x512xf32, #tpu.memory_space<vmem>>) target_semaphore(%run_scoped3A : memref<!tpu.dma_semaphore, #tpu.memory_space<semaphore_mem>>)
      %dma_wait3A = arith.constant 0 : i32
      %dma_wait3A_10 = arith.constant 0 : i32
      %dma_wait3A_11 = tpu.memref_slice %arg2[%add3A, %dma_wait3A, %dma_wait3A_10] : memref<32x16x512xf32, #tpu.memory_space<hbm>> -> memref<1x16x512xf32, #tpu.memory_space<hbm>>
      %dma_wait3A_12 = tpu.memref_squeeze %dma_wait3A_11 : memref<1x16x512xf32, #tpu.memory_space<hbm>> -> memref<16x512xf32, #tpu.memory_space<hbm>>
      %dma_wait3A_13 = arith.constant 0 : i32
      %dma_wait3A_14 = arith.constant 0 : i32
      %dma_wait3A_15 = tpu.memref_slice %arg2[%add3A, %dma_wait3A_13, %dma_wait3A_14] : memref<32x16x512xf32, #tpu.memory_space<hbm>> -> memref<1x16x512xf32, #tpu.memory_space<hbm>>
      %dma_wait3A_16 = tpu.memref_squeeze %dma_wait3A_15 : memref<1x16x512xf32, #tpu.memory_space<hbm>> -> memref<16x512xf32, #tpu.memory_space<hbm>>
      tpu.wait_dma2 semaphore(%run_scoped3A : memref<!tpu.dma_semaphore, #tpu.memory_space<semaphore_mem>>) src(%dma_wait3A_16 : memref<16x512xf32, #tpu.memory_space<hbm>>) dst(%arg4 : memref<16x512xf32, #tpu.memory_space<vmem>>)
      tpu.yield
    }) : () -> ()
    %parallel_loop3A = arith.constant 0 : i32
    %parallel_loop3A_1 = arith.constant 32 : i32
    %parallel_loop3A_2 = arith.constant 1 : i32
    scf.for %parallel_loop3A_3 = %parallel_loop3A to %parallel_loop3A_1 step %parallel_loop3A_2  : i32 {
      %parallel_loop3A_4 = arith.constant 16 : i32
      %parallel_loop3A_5 = arith.muli %parallel_loop3A_3, %parallel_loop3A_4 : i32
      %parallel_loop3A_6 = tpu.assume_multiple %parallel_loop3A_5, 16 : i32
      %parallel_loop3A_7 = arith.constant 0 : i32
      %parallel_loop3A_8 = arith.index_cast %parallel_loop3A_7 : i32 to index
      %parallel_loop3A_9 = arith.index_cast %parallel_loop3A_6 : i32 to index
      %parallel_loop3A_10 = tpu.vector_load %arg4[%parallel_loop3A_8, %parallel_loop3A_9] {strides = array<i32>} : memref<16x512xf32, #tpu.memory_space<vmem>>, vector<1x16xf32>,
      %parallel_loop3A_11 = vector.shape_cast %parallel_loop3A_10 : vector<1x16xf32> to vector<16xf32>
      %parallel_loop3A_12 = arith.constant 1 : i32
      %parallel_loop3A_13 = arith.index_cast %parallel_loop3A_12 : i32 to index
      %parallel_loop3A_14 = arith.index_cast %parallel_loop3A_6 : i32 to index
      %parallel_loop3A_15 = tpu.vector_load %arg4[%parallel_loop3A_13, %parallel_loop3A_14] {strides = array<i32>} : memref<16x512xf32, #tpu.memory_space<vmem>>, vector<1x16xf32>,
      %parallel_loop3A_16 = vector.shape_cast %parallel_loop3A_15 : vector<1x16xf32> to vector<16xf32>
      %parallel_loop3A_17 = arith.constant 2 : i32
      %parallel_loop3A_18 = arith.index_cast %parallel_loop3A_17 : i32 to index
      %parallel_loop3A_19 = arith.index_cast %parallel_loop3A_6 : i32 to index
      %parallel_loop3A_20 = tpu.vector_load %arg4[%parallel_loop3A_18, %parallel_loop3A_19] {strides = array<i32>} : memref<16x512xf32, #tpu.memory_space<vmem>>, vector<1x16xf32>,
      %parallel_loop3A_21 = vector.shape_cast %parallel_loop3A_20 : vector<1x16xf32> to vector<16xf32>
      %parallel_loop3A_22 = arith.constant 3 : i32
      %parallel_loop3A_23 = arith.index_cast %parallel_loop3A_22 : i32 to index
      %parallel_loop3A_24 = arith.index_cast %parallel_loop3A_6 : i32 to index
      %parallel_loop3A_25 = tpu.vector_load %arg4[%parallel_loop3A_23, %parallel_loop3A_24] {strides = array<i32>} : memref<16x512xf32, #tpu.memory_space<vmem>>, vector<1x16xf32>,
      %parallel_loop3A_26 = vector.shape_cast %parallel_loop3A_25 : vector<1x16xf32> to vector<16xf32>
      %parallel_loop3A_27 = arith.constant 4 : i32
      %parallel_loop3A_28 = arith.index_cast %parallel_loop3A_27 : i32 to index
      %parallel_loop3A_29 = arith.index_cast %parallel_loop3A_6 : i32 to index
      %parallel_loop3A_30 = tpu.vector_load %arg4[%parallel_loop3A_28, %parallel_loop3A_29] {strides = array<i32>} : memref<16x512xf32, #tpu.memory_space<vmem>>, vector<1x16xf32>,
      %parallel_loop3A_31 = vector.shape_cast %parallel_loop3A_30 : vector<1x16xf32> to vector<16xf32>
      %parallel_loop3A_32 = arith.constant 5 : i32
      %parallel_loop3A_33 = arith.index_cast %parallel_loop3A_32 : i32 to index
      %parallel_loop3A_34 = arith.index_cast %parallel_loop3A_6 : i32 to index
      %parallel_loop3A_35 = tpu.vector_load %arg4[%parallel_loop3A_33, %parallel_loop3A_34] {strides = array<i32>} : memref<16x512xf32, #tpu.memory_space<vmem>>, vector<1x16xf32>,
      %parallel_loop3A_36 = vector.shape_cast %parallel_loop3A_35 : vector<1x16xf32> to vector<16xf32>
      %parallel_loop3A_37 = arith.constant 6 : i32
      %parallel_loop3A_38 = arith.index_cast %parallel_loop3A_37 : i32 to index
      %parallel_loop3A_39 = arith.index_cast %parallel_loop3A_6 : i32 to index
      %parallel_loop3A_40 = tpu.vector_load %arg4[%parallel_loop3A_38, %parallel_loop3A_39] {strides = array<i32>} : memref<16x512xf32, #tpu.memory_space<vmem>>, vector<1x16xf32>,
      %parallel_loop3A_41 = vector.shape_cast %parallel_loop3A_40 : vector<1x16xf32> to vector<16xf32>
      %parallel_loop3A_42 = arith.constant 7 : i32
      %parallel_loop3A_43 = arith.index_cast %parallel_loop3A_42 : i32 to index
      %parallel_loop3A_44 = arith.index_cast %parallel_loop3A_6 : i32 to index
      %parallel_loop3A_45 = tpu.vector_load %arg4[%parallel_loop3A_43, %parallel_loop3A_44] {strides = array<i32>} : memref<16x512xf32, #tpu.memory_space<vmem>>, vector<1x16xf32>,
      %parallel_loop3A_46 = vector.shape_cast %parallel_loop3A_45 : vector<1x16xf32> to vector<16xf32>
      %parallel_loop3A_47 = arith.constant 8 : i32
      %parallel_loop3A_48 = arith.index_cast %parallel_loop3A_47 : i32 to index
      %parallel_loop3A_49 = arith.index_cast %parallel_loop3A_6 : i32 to index
      %parallel_loop3A_50 = tpu.vector_load %arg4[%parallel_loop3A_48, %parallel_loop3A_49] {strides = array<i32>} : memref<16x512xf32, #tpu.memory_space<vmem>>, vector<1x16xf32>,
      %parallel_loop3A_51 = vector.shape_cast %parallel_loop3A_50 : vector<1x16xf32> to vector<16xf32>
      %parallel_loop3A_52 = arith.constant 9 : i32
      %parallel_loop3A_53 = arith.index_cast %parallel_loop3A_52 : i32 to index
      %parallel_loop3A_54 = arith.index_cast %parallel_loop3A_6 : i32 to index
      %parallel_loop3A_55 = tpu.vector_load %arg4[%parallel_loop3A_53, %parallel_loop3A_54] {strides = array<i32>} : memref<16x512xf32, #tpu.memory_space<vmem>>, vector<1x16xf32>,
      %parallel_loop3A_56 = vector.shape_cast %parallel_loop3A_55 : vector<1x16xf32> to vector<16xf32>
      %parallel_loop3A_57 = arith.constant 10 : i32
      %parallel_loop3A_58 = arith.index_cast %parallel_loop3A_57 : i32 to index
      %parallel_loop3A_59 = arith.index_cast %parallel_loop3A_6 : i32 to index
      %parallel_loop3A_60 = tpu.vector_load %arg4[%parallel_loop3A_58, %parallel_loop3A_59] {strides = array<i32>} : memref<16x512xf32, #tpu.memory_space<vmem>>, vector<1x16xf32>,
      %parallel_loop3A_61 = vector.shape_cast %parallel_loop3A_60 : vector<1x16xf32> to vector<16xf32>
      %parallel_loop3A_62 = arith.constant 11 : i32
      %parallel_loop3A_63 = arith.index_cast %parallel_loop3A_62 : i32 to index
      %parallel_loop3A_64 = arith.index_cast %parallel_loop3A_6 : i32 to index
      %parallel_loop3A_65 = tpu.vector_load %arg4[%parallel_loop3A_63, %parallel_loop3A_64] {strides = array<i32>} : memref<16x512xf32, #tpu.memory_space<vmem>>, vector<1x16xf32>,
      %parallel_loop3A_66 = vector.shape_cast %parallel_loop3A_65 : vector<1x16xf32> to vector<16xf32>
      %parallel_loop3A_67 = arith.constant 12 : i32
      %parallel_loop3A_68 = arith.index_cast %parallel_loop3A_67 : i32 to index
      %parallel_loop3A_69 = arith.index_cast %parallel_loop3A_6 : i32 to index
      %parallel_loop3A_70 = tpu.vector_load %arg4[%parallel_loop3A_68, %parallel_loop3A_69] {strides = array<i32>} : memref<16x512xf32, #tpu.memory_space<vmem>>, vector<1x16xf32>,
      %parallel_loop3A_71 = vector.shape_cast %parallel_loop3A_70 : vector<1x16xf32> to vector<16xf32>
      %parallel_loop3A_72 = arith.constant 13 : i32
      %parallel_loop3A_73 = arith.index_cast %parallel_loop3A_72 : i32 to index
      %parallel_loop3A_74 = arith.index_cast %parallel_loop3A_6 : i32 to index
      %parallel_loop3A_75 = tpu.vector_load %arg4[%parallel_loop3A_73, %parallel_loop3A_74] {strides = array<i32>} : memref<16x512xf32, #tpu.memory_space<vmem>>, vector<1x16xf32>,
      %parallel_loop3A_76 = vector.shape_cast %parallel_loop3A_75 : vector<1x16xf32> to vector<16xf32>
      %parallel_loop3A_77 = arith.constant 14 : i32
      %parallel_loop3A_78 = arith.index_cast %parallel_loop3A_77 : i32 to index
      %parallel_loop3A_79 = arith.index_cast %parallel_loop3A_6 : i32 to index
      %parallel_loop3A_80 = tpu.vector_load %arg4[%parallel_loop3A_78, %parallel_loop3A_79] {strides = array<i32>} : memref<16x512xf32, #tpu.memory_space<vmem>>, vector<1x16xf32>,
      %parallel_loop3A_81 = vector.shape_cast %parallel_loop3A_80 : vector<1x16xf32> to vector<16xf32>
      %parallel_loop3A_82 = arith.constant 15 : i32
      %parallel_loop3A_83 = arith.index_cast %parallel_loop3A_82 : i32 to index
      %parallel_loop3A_84 = arith.index_cast %parallel_loop3A_6 : i32 to index
      %parallel_loop3A_85 = tpu.vector_load %arg4[%parallel_loop3A_83, %parallel_loop3A_84] {strides = array<i32>} : memref<16x512xf32, #tpu.memory_space<vmem>>, vector<1x16xf32>,
      %parallel_loop3A_86 = vector.shape_cast %parallel_loop3A_85 : vector<1x16xf32> to vector<16xf32>
      %parallel_loop3A_87 = arith.constant 0 : i32
      %parallel_loop3A_88 = vector.broadcast %parallel_loop3A_87 : i32 to vector<16xi32>
      %parallel_loop3A_89 = arith.constant 1 : i32
      %parallel_loop3A_90 = vector.broadcast %parallel_loop3A_89 : i32 to vector<16xi32>
      %parallel_loop3A_91 = arith.constant 2 : i32
      %parallel_loop3A_92 = vector.broadcast %parallel_loop3A_91 : i32 to vector<16xi32>
      %parallel_loop3A_93 = arith.constant 3 : i32
      %parallel_loop3A_94 = vector.broadcast %parallel_loop3A_93 : i32 to vector<16xi32>
      %parallel_loop3A_95 = arith.constant 4 : i32
      %parallel_loop3A_96 = vector.broadcast %parallel_loop3A_95 : i32 to vector<16xi32>
      %parallel_loop3A_97 = arith.constant 5 : i32
      %parallel_loop3A_98 = vector.broadcast %parallel_loop3A_97 : i32 to vector<16xi32>
      %parallel_loop3A_99 = arith.constant 6 : i32
      %parallel_loop3A_100 = vector.broadcast %parallel_loop3A_99 : i32 to vector<16xi32>
      %parallel_loop3A_101 = arith.constant 7 : i32
      %parallel_loop3A_102 = vector.broadcast %parallel_loop3A_101 : i32 to vector<16xi32>
      %parallel_loop3A_103 = arith.constant 8 : i32
      %parallel_loop3A_104 = vector.broadcast %parallel_loop3A_103 : i32 to vector<16xi32>
      %parallel_loop3A_105 = arith.constant 9 : i32
      %parallel_loop3A_106 = vector.broadcast %parallel_loop3A_105 : i32 to vector<16xi32>
      %parallel_loop3A_107 = arith.constant 10 : i32
      %parallel_loop3A_108 = vector.broadcast %parallel_loop3A_107 : i32 to vector<16xi32>
      %parallel_loop3A_109 = arith.constant 11 : i32
      %parallel_loop3A_110 = vector.broadcast %parallel_loop3A_109 : i32 to vector<16xi32>
      %parallel_loop3A_111 = arith.constant 12 : i32
      %parallel_loop3A_112 = vector.broadcast %parallel_loop3A_111 : i32 to vector<16xi32>
      %parallel_loop3A_113 = arith.constant 13 : i32
      %parallel_loop3A_114 = vector.broadcast %parallel_loop3A_113 : i32 to vector<16xi32>
      %parallel_loop3A_115 = arith.constant 14 : i32
      %parallel_loop3A_116 = vector.broadcast %parallel_loop3A_115 : i32 to vector<16xi32>
      %parallel_loop3A_117 = arith.constant 15 : i32
      %parallel_loop3A_118 = vector.broadcast %parallel_loop3A_117 : i32 to vector<16xi32>
      %parallel_loop3A_119 = arith.cmpf ogt, %parallel_loop3A_16, %parallel_loop3A_11 : vector<16xf32>
      %parallel_loop3A_120 = arith.select %parallel_loop3A_119, %parallel_loop3A_16, %parallel_loop3A_11 : vector<16xi1>, vector<16xf32>
      %parallel_loop3A_121 = arith.select %parallel_loop3A_119, %parallel_loop3A_90, %parallel_loop3A_88 : vector<16xi1>, vector<16xi32>
      %parallel_loop3A_122 = arith.cmpf ogt, %parallel_loop3A_26, %parallel_loop3A_21 : vector<16xf32>
      %parallel_loop3A_123 = arith.select %parallel_loop3A_122, %parallel_loop3A_26, %parallel_loop3A_21 : vector<16xi1>, vector<16xf32>
      %parallel_loop3A_124 = arith.select %parallel_loop3A_122, %parallel_loop3A_94, %parallel_loop3A_92 : vector<16xi1>, vector<16xi32>
      %parallel_loop3A_125 = arith.cmpf ogt, %parallel_loop3A_36, %parallel_loop3A_31 : vector<16xf32>
      %parallel_loop3A_126 = arith.select %parallel_loop3A_125, %parallel_loop3A_36, %parallel_loop3A_31 : vector<16xi1>, vector<16xf32>
      %parallel_loop3A_127 = arith.select %parallel_loop3A_125, %parallel_loop3A_98, %parallel_loop3A_96 : vector<16xi1>, vector<16xi32>
      %parallel_loop3A_128 = arith.cmpf ogt, %parallel_loop3A_46, %parallel_loop3A_41 : vector<16xf32>
      %parallel_loop3A_129 = arith.select %parallel_loop3A_128, %parallel_loop3A_46, %parallel_loop3A_41 : vector<16xi1>, vector<16xf32>
      %parallel_loop3A_130 = arith.select %parallel_loop3A_128, %parallel_loop3A_102, %parallel_loop3A_100 : vector<16xi1>, vector<16xi32>
      %parallel_loop3A_131 = arith.cmpf ogt, %parallel_loop3A_56, %parallel_loop3A_51 : vector<16xf32>
      %parallel_loop3A_132 = arith.select %parallel_loop3A_131, %parallel_loop3A_56, %parallel_loop3A_51 : vector<16xi1>, vector<16xf32>
      %parallel_loop3A_133 = arith.select %parallel_loop3A_131, %parallel_loop3A_106, %parallel_loop3A_104 : vector<16xi1>, vector<16xi32>
      %parallel_loop3A_134 = arith.cmpf ogt, %parallel_loop3A_66, %parallel_loop3A_61 : vector<16xf32>
      %parallel_loop3A_135 = arith.select %parallel_loop3A_134, %parallel_loop3A_66, %parallel_loop3A_61 : vector<16xi1>, vector<16xf32>
      %parallel_loop3A_136 = arith.select %parallel_loop3A_134, %parallel_loop3A_110, %parallel_loop3A_108 : vector<16xi1>, vector<16xi32>
      %parallel_loop3A_137 = arith.cmpf ogt, %parallel_loop3A_76, %parallel_loop3A_71 : vector<16xf32>
      %parallel_loop3A_138 = arith.select %parallel_loop3A_137, %parallel_loop3A_76, %parallel_loop3A_71 : vector<16xi1>, vector<16xf32>
      %parallel_loop3A_139 = arith.select %parallel_loop3A_137, %parallel_loop3A_114, %parallel_loop3A_112 : vector<16xi1>, vector<16xi32>
      %parallel_loop3A_140 = arith.cmpf ogt, %parallel_loop3A_86, %parallel_loop3A_81 : vector<16xf32>
      %parallel_loop3A_141 = arith.select %parallel_loop3A_140, %parallel_loop3A_86, %parallel_loop3A_81 : vector<16xi1>, vector<16xf32>
      %parallel_loop3A_142 = arith.select %parallel_loop3A_140, %parallel_loop3A_118, %parallel_loop3A_116 : vector<16xi1>, vector<16xi32>
      %parallel_loop3A_143 = arith.cmpf ogt, %parallel_loop3A_123, %parallel_loop3A_120 : vector<16xf32>
      %parallel_loop3A_144 = arith.select %parallel_loop3A_143, %parallel_loop3A_123, %parallel_loop3A_120 : vector<16xi1>, vector<16xf32>
      %parallel_loop3A_145 = arith.select %parallel_loop3A_143, %parallel_loop3A_124, %parallel_loop3A_121 : vector<16xi1>, vector<16xi32>
      %parallel_loop3A_146 = arith.cmpf ogt, %parallel_loop3A_129, %parallel_loop3A_126 : vector<16xf32>
      %parallel_loop3A_147 = arith.select %parallel_loop3A_146, %parallel_loop3A_129, %parallel_loop3A_126 : vector<16xi1>, vector<16xf32>
      %parallel_loop3A_148 = arith.select %parallel_loop3A_146, %parallel_loop3A_130, %parallel_loop3A_127 : vector<16xi1>, vector<16xi32>
      %parallel_loop3A_149 = arith.cmpf ogt, %parallel_loop3A_135, %parallel_loop3A_132 : vector<16xf32>
      %parallel_loop3A_150 = arith.select %parallel_loop3A_149, %parallel_loop3A_135, %parallel_loop3A_132 : vector<16xi1>, vector<16xf32>
      %parallel_loop3A_151 = arith.select %parallel_loop3A_149, %parallel_loop3A_136, %parallel_loop3A_133 : vector<16xi1>, vector<16xi32>
      %parallel_loop3A_152 = arith.cmpf ogt, %parallel_loop3A_141, %parallel_loop3A_138 : vector<16xf32>
      %parallel_loop3A_153 = arith.select %parallel_loop3A_152, %parallel_loop3A_141, %parallel_loop3A_138 : vector<16xi1>, vector<16xf32>
      %parallel_loop3A_154 = arith.select %parallel_loop3A_152, %parallel_loop3A_142, %parallel_loop3A_139 : vector<16xi1>, vector<16xi32>
      %parallel_loop3A_155 = arith.cmpf ogt, %parallel_loop3A_147, %parallel_loop3A_144 : vector<16xf32>
      %parallel_loop3A_156 = arith.select %parallel_loop3A_155, %parallel_loop3A_147, %parallel_loop3A_144 : vector<16xi1>, vector<16xf32>
      %parallel_loop3A_157 = arith.select %parallel_loop3A_155, %parallel_loop3A_148, %parallel_loop3A_145 : vector<16xi1>, vector<16xi32>
      %parallel_loop3A_158 = arith.cmpf ogt, %parallel_loop3A_153, %parallel_loop3A_150 : vector<16xf32>
      %parallel_loop3A_159 = arith.select %parallel_loop3A_158, %parallel_loop3A_153, %parallel_loop3A_150 : vector<16xi1>, vector<16xf32>
      %parallel_loop3A_160 = arith.select %parallel_loop3A_158, %parallel_loop3A_154, %parallel_loop3A_151 : vector<16xi1>, vector<16xi32>
      %parallel_loop3A_161 = arith.cmpf ogt, %parallel_loop3A_159, %parallel_loop3A_156 : vector<16xf32>
      %parallel_loop3A_162 = arith.select %parallel_loop3A_161, %parallel_loop3A_159, %parallel_loop3A_156 : vector<16xi1>, vector<16xf32>
      %parallel_loop3A_163 = arith.select %parallel_loop3A_161, %parallel_loop3A_160, %parallel_loop3A_157 : vector<16xi1>, vector<16xi32>
      %parallel_loop3A_164 = arith.constant 0 : i32
      %parallel_loop3A_165 = vector.broadcast %parallel_loop3A_164 : i32 to vector<16xi32>
      %parallel_loop3A_166 = arith.cmpi eq, %parallel_loop3A_163, %parallel_loop3A_165 : vector<16xi32>
      %parallel_loop3A_167 = arith.constant 0xFF800000 : f32
      %parallel_loop3A_168 = vector.broadcast %parallel_loop3A_167 : f32 to vector<16xf32>
      %parallel_loop3A_169 = arith.select %parallel_loop3A_166, %parallel_loop3A_168, %parallel_loop3A_11 : vector<16xi1>, vector<16xf32>
      %parallel_loop3A_170 = arith.constant 1 : i32
      %parallel_loop3A_171 = vector.broadcast %parallel_loop3A_170 : i32 to vector<16xi32>
      %parallel_loop3A_172 = arith.cmpi eq, %parallel_loop3A_163, %parallel_loop3A_171 : vector<16xi32>
      %parallel_loop3A_173 = arith.constant 0xFF800000 : f32
      %parallel_loop3A_174 = vector.broadcast %parallel_loop3A_173 : f32 to vector<16xf32>
      %parallel_loop3A_175 = arith.select %parallel_loop3A_172, %parallel_loop3A_174, %parallel_loop3A_16 : vector<16xi1>, vector<16xf32>
      %parallel_loop3A_176 = arith.constant 2 : i32
      %parallel_loop3A_177 = vector.broadcast %parallel_loop3A_176 : i32 to vector<16xi32>
      %parallel_loop3A_178 = arith.cmpi eq, %parallel_loop3A_163, %parallel_loop3A_177 : vector<16xi32>
      %parallel_loop3A_179 = arith.constant 0xFF800000 : f32
      %parallel_loop3A_180 = vector.broadcast %parallel_loop3A_179 : f32 to vector<16xf32>
      %parallel_loop3A_181 = arith.select %parallel_loop3A_178, %parallel_loop3A_180, %parallel_loop3A_21 : vector<16xi1>, vector<16xf32>
      %parallel_loop3A_182 = arith.constant 3 : i32
      %parallel_loop3A_183 = vector.broadcast %parallel_loop3A_182 : i32 to vector<16xi32>
      %parallel_loop3A_184 = arith.cmpi eq, %parallel_loop3A_163, %parallel_loop3A_183 : vector<16xi32>
      %parallel_loop3A_185 = arith.constant 0xFF800000 : f32
      %parallel_loop3A_186 = vector.broadcast %parallel_loop3A_185 : f32 to vector<16xf32>
      %parallel_loop3A_187 = arith.select %parallel_loop3A_184, %parallel_loop3A_186, %parallel_loop3A_26 : vector<16xi1>, vector<16xf32>
      %parallel_loop3A_188 = arith.constant 4 : i32
      %parallel_loop3A_189 = vector.broadcast %parallel_loop3A_188 : i32 to vector<16xi32>
      %parallel_loop3A_190 = arith.cmpi eq, %parallel_loop3A_163, %parallel_loop3A_189 : vector<16xi32>
      %parallel_loop3A_191 = arith.constant 0xFF800000 : f32
      %parallel_loop3A_192 = vector.broadcast %parallel_loop3A_191 : f32 to vector<16xf32>
      %parallel_loop3A_193 = arith.select %parallel_loop3A_190, %parallel_loop3A_192, %parallel_loop3A_31 : vector<16xi1>, vector<16xf32>
      %parallel_loop3A_194 = arith.constant 5 : i32
      %parallel_loop3A_195 = vector.broadcast %parallel_loop3A_194 : i32 to vector<16xi32>
      %parallel_loop3A_196 = arith.cmpi eq, %parallel_loop3A_163, %parallel_loop3A_195 : vector<16xi32>
      %parallel_loop3A_197 = arith.constant 0xFF800000 : f32
      %parallel_loop3A_198 = vector.broadcast %parallel_loop3A_197 : f32 to vector<16xf32>
      %parallel_loop3A_199 = arith.select %parallel_loop3A_196, %parallel_loop3A_198, %parallel_loop3A_36 : vector<16xi1>, vector<16xf32>
      %parallel_loop3A_200 = arith.constant 6 : i32
      %parallel_loop3A_201 = vector.broadcast %parallel_loop3A_200 : i32 to vector<16xi32>
      %parallel_loop3A_202 = arith.cmpi eq, %parallel_loop3A_163, %parallel_loop3A_201 : vector<16xi32>
      %parallel_loop3A_203 = arith.constant 0xFF800000 : f32
      %parallel_loop3A_204 = vector.broadcast %parallel_loop3A_203 : f32 to vector<16xf32>
      %parallel_loop3A_205 = arith.select %parallel_loop3A_202, %parallel_loop3A_204, %parallel_loop3A_41 : vector<16xi1>, vector<16xf32>
      %parallel_loop3A_206 = arith.constant 7 : i32
      %parallel_loop3A_207 = vector.broadcast %parallel_loop3A_206 : i32 to vector<16xi32>
      %parallel_loop3A_208 = arith.cmpi eq, %parallel_loop3A_163, %parallel_loop3A_207 : vector<16xi32>
      %parallel_loop3A_209 = arith.constant 0xFF800000 : f32
      %parallel_loop3A_210 = vector.broadcast %parallel_loop3A_209 : f32 to vector<16xf32>
      %parallel_loop3A_211 = arith.select %parallel_loop3A_208, %parallel_loop3A_210, %parallel_loop3A_46 : vector<16xi1>, vector<16xf32>
      %parallel_loop3A_212 = arith.constant 8 : i32
      %parallel_loop3A_213 = vector.broadcast %parallel_loop3A_212 : i32 to vector<16xi32>
      %parallel_loop3A_214 = arith.cmpi eq, %parallel_loop3A_163, %parallel_loop3A_213 : vector<16xi32>
      %parallel_loop3A_215 = arith.constant 0xFF800000 : f32
      %parallel_loop3A_216 = vector.broadcast %parallel_loop3A_215 : f32 to vector<16xf32>
      %parallel_loop3A_217 = arith.select %parallel_loop3A_214, %parallel_loop3A_216, %parallel_loop3A_51 : vector<16xi1>, vector<16xf32>
      %parallel_loop3A_218 = arith.constant 9 : i32
      %parallel_loop3A_219 = vector.broadcast %parallel_loop3A_218 : i32 to vector<16xi32>
      %parallel_loop3A_220 = arith.cmpi eq, %parallel_loop3A_163, %parallel_loop3A_219 : vector<16xi32>
      %parallel_loop3A_221 = arith.constant 0xFF800000 : f32
      %parallel_loop3A_222 = vector.broadcast %parallel_loop3A_221 : f32 to vector<16xf32>
      %parallel_loop3A_223 = arith.select %parallel_loop3A_220, %parallel_loop3A_222, %parallel_loop3A_56 : vector<16xi1>, vector<16xf32>
      %parallel_loop3A_224 = arith.constant 10 : i32
      %parallel_loop3A_225 = vector.broadcast %parallel_loop3A_224 : i32 to vector<16xi32>
      %parallel_loop3A_226 = arith.cmpi eq, %parallel_loop3A_163, %parallel_loop3A_225 : vector<16xi32>
      %parallel_loop3A_227 = arith.constant 0xFF800000 : f32
      %parallel_loop3A_228 = vector.broadcast %parallel_loop3A_227 : f32 to vector<16xf32>
      %parallel_loop3A_229 = arith.select %parallel_loop3A_226, %parallel_loop3A_228, %parallel_loop3A_61 : vector<16xi1>, vector<16xf32>
      %parallel_loop3A_230 = arith.constant 11 : i32
      %parallel_loop3A_231 = vector.broadcast %parallel_loop3A_230 : i32 to vector<16xi32>
      %parallel_loop3A_232 = arith.cmpi eq, %parallel_loop3A_163, %parallel_loop3A_231 : vector<16xi32>
      %parallel_loop3A_233 = arith.constant 0xFF800000 : f32
      %parallel_loop3A_234 = vector.broadcast %parallel_loop3A_233 : f32 to vector<16xf32>
      %parallel_loop3A_235 = arith.select %parallel_loop3A_232, %parallel_loop3A_234, %parallel_loop3A_66 : vector<16xi1>, vector<16xf32>
      %parallel_loop3A_236 = arith.constant 12 : i32
      %parallel_loop3A_237 = vector.broadcast %parallel_loop3A_236 : i32 to vector<16xi32>
      %parallel_loop3A_238 = arith.cmpi eq, %parallel_loop3A_163, %parallel_loop3A_237 : vector<16xi32>
      %parallel_loop3A_239 = arith.constant 0xFF800000 : f32
      %parallel_loop3A_240 = vector.broadcast %parallel_loop3A_239 : f32 to vector<16xf32>
      %parallel_loop3A_241 = arith.select %parallel_loop3A_238, %parallel_loop3A_240, %parallel_loop3A_71 : vector<16xi1>, vector<16xf32>
      %parallel_loop3A_242 = arith.constant 13 : i32
      %parallel_loop3A_243 = vector.broadcast %parallel_loop3A_242 : i32 to vector<16xi32>
      %parallel_loop3A_244 = arith.cmpi eq, %parallel_loop3A_163, %parallel_loop3A_243 : vector<16xi32>
      %parallel_loop3A_245 = arith.constant 0xFF800000 : f32
      %parallel_loop3A_246 = vector.broadcast %parallel_loop3A_245 : f32 to vector<16xf32>
      %parallel_loop3A_247 = arith.select %parallel_loop3A_244, %parallel_loop3A_246, %parallel_loop3A_76 : vector<16xi1>, vector<16xf32>
      %parallel_loop3A_248 = arith.constant 14 : i32
      %parallel_loop3A_249 = vector.broadcast %parallel_loop3A_248 : i32 to vector<16xi32>
      %parallel_loop3A_250 = arith.cmpi eq, %parallel_loop3A_163, %parallel_loop3A_249 : vector<16xi32>
      %parallel_loop3A_251 = arith.constant 0xFF800000 : f32
      %parallel_loop3A_252 = vector.broadcast %parallel_loop3A_251 : f32 to vector<16xf32>
      %parallel_loop3A_253 = arith.select %parallel_loop3A_250, %parallel_loop3A_252, %parallel_loop3A_81 : vector<16xi1>, vector<16xf32>
      %parallel_loop3A_254 = arith.constant 15 : i32
      %parallel_loop3A_255 = vector.broadcast %parallel_loop3A_254 : i32 to vector<16xi32>
      %parallel_loop3A_256 = arith.cmpi eq, %parallel_loop3A_163, %parallel_loop3A_255 : vector<16xi32>
      %parallel_loop3A_257 = arith.constant 0xFF800000 : f32
      %parallel_loop3A_258 = vector.broadcast %parallel_loop3A_257 : f32 to vector<16xf32>
      %parallel_loop3A_259 = arith.select %parallel_loop3A_256, %parallel_loop3A_258, %parallel_loop3A_86 : vector<16xi1>, vector<16xf32>
      %parallel_loop3A_260 = arith.cmpf ogt, %parallel_loop3A_175, %parallel_loop3A_169 : vector<16xf32>
      %parallel_loop3A_261 = arith.select %parallel_loop3A_260, %parallel_loop3A_175, %parallel_loop3A_169 : vector<16xi1>, vector<16xf32>
      %parallel_loop3A_262 = arith.select %parallel_loop3A_260, %parallel_loop3A_90, %parallel_loop3A_88 : vector<16xi1>, vector<16xi32>
      %parallel_loop3A_263 = arith.cmpf ogt, %parallel_loop3A_187, %parallel_loop3A_181 : vector<16xf32>
      %parallel_loop3A_264 = arith.select %parallel_loop3A_263, %parallel_loop3A_187, %parallel_loop3A_181 : vector<16xi1>, vector<16xf32>
      %parallel_loop3A_265 = arith.select %parallel_loop3A_263, %parallel_loop3A_94, %parallel_loop3A_92 : vector<16xi1>, vector<16xi32>
      %parallel_loop3A_266 = arith.cmpf ogt, %parallel_loop3A_199, %parallel_loop3A_193 : vector<16xf32>
      %parallel_loop3A_267 = arith.select %parallel_loop3A_266, %parallel_loop3A_199, %parallel_loop3A_193 : vector<16xi1>, vector<16xf32>
      %parallel_loop3A_268 = arith.select %parallel_loop3A_266, %parallel_loop3A_98, %parallel_loop3A_96 : vector<16xi1>, vector<16xi32>
      %parallel_loop3A_269 = arith.cmpf ogt, %parallel_loop3A_211, %parallel_loop3A_205 : vector<16xf32>
      %parallel_loop3A_270 = arith.select %parallel_loop3A_269, %parallel_loop3A_211, %parallel_loop3A_205 : vector<16xi1>, vector<16xf32>
      %parallel_loop3A_271 = arith.select %parallel_loop3A_269, %parallel_loop3A_102, %parallel_loop3A_100 : vector<16xi1>, vector<16xi32>
      %parallel_loop3A_272 = arith.cmpf ogt, %parallel_loop3A_223, %parallel_loop3A_217 : vector<16xf32>
      %parallel_loop3A_273 = arith.select %parallel_loop3A_272, %parallel_loop3A_223, %parallel_loop3A_217 : vector<16xi1>, vector<16xf32>
      %parallel_loop3A_274 = arith.select %parallel_loop3A_272, %parallel_loop3A_106, %parallel_loop3A_104 : vector<16xi1>, vector<16xi32>
      %parallel_loop3A_275 = arith.cmpf ogt, %parallel_loop3A_235, %parallel_loop3A_229 : vector<16xf32>
      %parallel_loop3A_276 = arith.select %parallel_loop3A_275, %parallel_loop3A_235, %parallel_loop3A_229 : vector<16xi1>, vector<16xf32>
      %parallel_loop3A_277 = arith.select %parallel_loop3A_275, %parallel_loop3A_110, %parallel_loop3A_108 : vector<16xi1>, vector<16xi32>
      %parallel_loop3A_278 = arith.cmpf ogt, %parallel_loop3A_247, %parallel_loop3A_241 : vector<16xf32>
      %parallel_loop3A_279 = arith.select %parallel_loop3A_278, %parallel_loop3A_247, %parallel_loop3A_241 : vector<16xi1>, vector<16xf32>
      %parallel_loop3A_280 = arith.select %parallel_loop3A_278, %parallel_loop3A_114, %parallel_loop3A_112 : vector<16xi1>, vector<16xi32>
      %parallel_loop3A_281 = arith.cmpf ogt, %parallel_loop3A_259, %parallel_loop3A_253 : vector<16xf32>
      %parallel_loop3A_282 = arith.select %parallel_loop3A_281, %parallel_loop3A_259, %parallel_loop3A_253 : vector<16xi1>, vector<16xf32>
      %parallel_loop3A_283 = arith.select %parallel_loop3A_281, %parallel_loop3A_118, %parallel_loop3A_116 : vector<16xi1>, vector<16xi32>
      %parallel_loop3A_284 = arith.cmpf ogt, %parallel_loop3A_264, %parallel_loop3A_261 : vector<16xf32>
      %parallel_loop3A_285 = arith.select %parallel_loop3A_284, %parallel_loop3A_264, %parallel_loop3A_261 : vector<16xi1>, vector<16xf32>
      %parallel_loop3A_286 = arith.select %parallel_loop3A_284, %parallel_loop3A_265, %parallel_loop3A_262 : vector<16xi1>, vector<16xi32>
      %parallel_loop3A_287 = arith.cmpf ogt, %parallel_loop3A_270, %parallel_loop3A_267 : vector<16xf32>
      %parallel_loop3A_288 = arith.select %parallel_loop3A_287, %parallel_loop3A_270, %parallel_loop3A_267 : vector<16xi1>, vector<16xf32>
      %parallel_loop3A_289 = arith.select %parallel_loop3A_287, %parallel_loop3A_271, %parallel_loop3A_268 : vector<16xi1>, vector<16xi32>
      %parallel_loop3A_290 = arith.cmpf ogt, %parallel_loop3A_276, %parallel_loop3A_273 : vector<16xf32>
      %parallel_loop3A_291 = arith.select %parallel_loop3A_290, %parallel_loop3A_276, %parallel_loop3A_273 : vector<16xi1>, vector<16xf32>
      %parallel_loop3A_292 = arith.select %parallel_loop3A_290, %parallel_loop3A_277, %parallel_loop3A_274 : vector<16xi1>, vector<16xi32>
      %parallel_loop3A_293 = arith.cmpf ogt, %parallel_loop3A_282, %parallel_loop3A_279 : vector<16xf32>
      %parallel_loop3A_294 = arith.select %parallel_loop3A_293, %parallel_loop3A_282, %parallel_loop3A_279 : vector<16xi1>, vector<16xf32>
      %parallel_loop3A_295 = arith.select %parallel_loop3A_293, %parallel_loop3A_283, %parallel_loop3A_280 : vector<16xi1>, vector<16xi32>
      %parallel_loop3A_296 = arith.cmpf ogt, %parallel_loop3A_288, %parallel_loop3A_285 : vector<16xf32>
      %parallel_loop3A_297 = arith.select %parallel_loop3A_296, %parallel_loop3A_288, %parallel_loop3A_285 : vector<16xi1>, vector<16xf32>
      %parallel_loop3A_298 = arith.select %parallel_loop3A_296, %parallel_loop3A_289, %parallel_loop3A_286 : vector<16xi1>, vector<16xi32>
      %parallel_loop3A_299 = arith.cmpf ogt, %parallel_loop3A_294, %parallel_loop3A_291 : vector<16xf32>
      %parallel_loop3A_300 = arith.select %parallel_loop3A_299, %parallel_loop3A_294, %parallel_loop3A_291 : vector<16xi1>, vector<16xf32>
      %parallel_loop3A_301 = arith.select %parallel_loop3A_299, %parallel_loop3A_295, %parallel_loop3A_292 : vector<16xi1>, vector<16xi32>
      %parallel_loop3A_302 = arith.cmpf ogt, %parallel_loop3A_300, %parallel_loop3A_297 : vector<16xf32>
      %parallel_loop3A_303 = arith.select %parallel_loop3A_302, %parallel_loop3A_300, %parallel_loop3A_297 : vector<16xi1>, vector<16xf32>
      %parallel_loop3A_304 = arith.select %parallel_loop3A_302, %parallel_loop3A_301, %parallel_loop3A_298 : vector<16xi1>, vector<16xi32>
      %parallel_loop3A_305 = arith.subf %parallel_loop3A_303, %parallel_loop3A_162 : vector<16xf32>
      %parallel_loop3A_306 = math.exp %parallel_loop3A_305 : vector<16xf32>
      %parallel_loop3A_307 = arith.constant 1.000000e+00 : f32
      %parallel_loop3A_308 = vector.broadcast %parallel_loop3A_307 : f32 to vector<16xf32>
      %parallel_loop3A_309 = arith.addf %parallel_loop3A_306, %parallel_loop3A_308 : vector<16xf32>
      %parallel_loop3A_310 = arith.constant 1.000000e+00 : f32
      %parallel_loop3A_311 = vector.broadcast %parallel_loop3A_310 : f32 to vector<16xf32>
      %parallel_loop3A_312 = arith.divf %parallel_loop3A_311, %parallel_loop3A_309 : vector<16xf32>
      %parallel_loop3A_313 = arith.constant 0 : i32
      %parallel_loop3A_314 = arith.index_cast %parallel_loop3A_313 : i32 to index
      %parallel_loop3A_315 = arith.index_cast %parallel_loop3A_6 : i32 to index
      %parallel_loop3A_316 = tpu.vector_load %arg5[%parallel_loop3A_314, %parallel_loop3A_315] {strides = array<i32>} : memref<4x512xf32, #tpu.memory_space<vmem>>, vector<1x16xf32>,
      %parallel_loop3A_317 = vector.shape_cast %parallel_loop3A_316 : vector<1x16xf32> to vector<16xf32>
      %parallel_loop3A_318 = vector.shape_cast %parallel_loop3A_312 : vector<16xf32> to vector<1x16xf32>
      tpu.vector_store %arg5[%parallel_loop3A_314, %parallel_loop3A_315], %parallel_loop3A_318 {strides = array<i32>} : memref<4x512xf32, #tpu.memory_space<vmem>>, vector<1x16xf32>,
      %parallel_loop3A_319 = arith.divf %parallel_loop3A_306, %parallel_loop3A_309 : vector<16xf32>
      %parallel_loop3A_320 = arith.constant 1 : i32
      %parallel_loop3A_321 = arith.index_cast %parallel_loop3A_320 : i32 to index
      %parallel_loop3A_322 = arith.index_cast %parallel_loop3A_6 : i32 to index
      %parallel_loop3A_323 = tpu.vector_load %arg5[%parallel_loop3A_321, %parallel_loop3A_322] {strides = array<i32>} : memref<4x512xf32, #tpu.memory_space<vmem>>, vector<1x16xf32>,
      %parallel_loop3A_324 = vector.shape_cast %parallel_loop3A_323 : vector<1x16xf32> to vector<16xf32>
      %parallel_loop3A_325 = vector.shape_cast %parallel_loop3A_319 : vector<16xf32> to vector<1x16xf32>
      tpu.vector_store %arg5[%parallel_loop3A_321, %parallel_loop3A_322], %parallel_loop3A_325 {strides = array<i32>} : memref<4x512xf32, #tpu.memory_space<vmem>>, vector<1x16xf32>,
      %parallel_loop3A_326 = tpu.bitcast %parallel_loop3A_163 : vector<16xi32> -> vector<16xf32>
      %parallel_loop3A_327 = arith.constant 2 : i32
      %parallel_loop3A_328 = arith.index_cast %parallel_loop3A_327 : i32 to index
      %parallel_loop3A_329 = arith.index_cast %parallel_loop3A_6 : i32 to index
      %parallel_loop3A_330 = tpu.vector_load %arg5[%parallel_loop3A_328, %parallel_loop3A_329] {strides = array<i32>} : memref<4x512xf32, #tpu.memory_space<vmem>>, vector<1x16xf32>,
      %parallel_loop3A_331 = vector.shape_cast %parallel_loop3A_330 : vector<1x16xf32> to vector<16xf32>
      %parallel_loop3A_332 = vector.shape_cast %parallel_loop3A_326 : vector<16xf32> to vector<1x16xf32>
      tpu.vector_store %arg5[%parallel_loop3A_328, %parallel_loop3A_329], %parallel_loop3A_332 {strides = array<i32>} : memref<4x512xf32, #tpu.memory_space<vmem>>, vector<1x16xf32>,
      %parallel_loop3A_333 = tpu.bitcast %parallel_loop3A_304 : vector<16xi32> -> vector<16xf32>
      %parallel_loop3A_334 = arith.constant 3 : i32
      %parallel_loop3A_335 = arith.index_cast %parallel_loop3A_334 : i32 to index
      %parallel_loop3A_336 = arith.index_cast %parallel_loop3A_6 : i32 to index
      %parallel_loop3A_337 = tpu.vector_load %arg5[%parallel_loop3A_335, %parallel_loop3A_336] {strides = array<i32>} : memref<4x512xf32, #tpu.memory_space<vmem>>, vector<1x16xf32>,
      %parallel_loop3A_338 = vector.shape_cast %parallel_loop3A_337 : vector<1x16xf32> to vector<16xf32>
      %parallel_loop3A_339 = vector.shape_cast %parallel_loop3A_333 : vector<16xf32> to vector<1x16xf32>
      tpu.vector_store %arg5[%parallel_loop3A_335, %parallel_loop3A_336], %parallel_loop3A_339 {strides = array<i32>} : memref<4x512xf32, #tpu.memory_space<vmem>>, vector<1x16xf32>,
    } {sc.loop_unroll_factor = 2 : i64, sc.parallel_access}
    "tpu.region"() ({
      %run_scoped3A = tpu.sem_alloc : memref<!tpu.dma_semaphore, #tpu.memory_space<semaphore_mem>>
      %dma_start3A = arith.constant 0 : i32
      %dma_start3A_3 = arith.constant 0 : i32
      %dma_start3A_4 = tpu.memref_slice %arg3[%add3A, %dma_start3A, %dma_start3A_3] : memref<32x4x512xf32, #tpu.memory_space<hbm>> -> memref<1x4x512xf32, #tpu.memory_space<hbm>>
      %dma_start3A_5 = tpu.memref_squeeze %dma_start3A_4 : memref<1x4x512xf32, #tpu.memory_space<hbm>> -> memref<4x512xf32, #tpu.memory_space<hbm>>
      %dma_start3A_6 = arith.constant 0 : i32
      %dma_start3A_7 = arith.constant 0 : i32
      %dma_start3A_8 = tpu.memref_slice %arg3[%add3A, %dma_start3A_6, %dma_start3A_7] : memref<32x4x512xf32, #tpu.memory_space<hbm>> -> memref<1x4x512xf32, #tpu.memory_space<hbm>>
      %dma_start3A_9 = tpu.memref_squeeze %dma_start3A_8 : memref<1x4x512xf32, #tpu.memory_space<hbm>> -> memref<4x512xf32, #tpu.memory_space<hbm>>
      tpu.enqueue_dma source(%arg5 : memref<4x512xf32, #tpu.memory_space<vmem>>) target(%dma_start3A_9 : memref<4x512xf32, #tpu.memory_space<hbm>>) target_semaphore(%run_scoped3A : memref<!tpu.dma_semaphore, #tpu.memory_space<semaphore_mem>>)
      %dma_wait3A = arith.constant 0 : i32
      %dma_wait3A_10 = arith.constant 0 : i32
      %dma_wait3A_11 = tpu.memref_slice %arg3[%add3A, %dma_wait3A, %dma_wait3A_10] : memref<32x4x512xf32, #tpu.memory_space<hbm>> -> memref<1x4x512xf32, #tpu.memory_space<hbm>>
      %dma_wait3A_12 = tpu.memref_squeeze %dma_wait3A_11 : memref<1x4x512xf32, #tpu.memory_space<hbm>> -> memref<4x512xf32, #tpu.memory_space<hbm>>
      %dma_wait3A_13 = arith.constant 0 : i32
      %dma_wait3A_14 = arith.constant 0 : i32
      %dma_wait3A_15 = tpu.memref_slice %arg3[%add3A, %dma_wait3A_13, %dma_wait3A_14] : memref<32x4x512xf32, #tpu.memory_space<hbm>> -> memref<1x4x512xf32, #tpu.memory_space<hbm>>
      %dma_wait3A_16 = tpu.memref_squeeze %dma_wait3A_15 : memref<1x4x512xf32, #tpu.memory_space<hbm>> -> memref<4x512xf32, #tpu.memory_space<hbm>>
      tpu.wait_dma2 semaphore(%run_scoped3A : memref<!tpu.dma_semaphore, #tpu.memory_space<semaphore_mem>>) src(%arg5 : memref<4x512xf32, #tpu.memory_space<vmem>>) dst(%dma_wait3A_16 : memref<4x512xf32, #tpu.memory_space<hbm>>)
      tpu.yield
    }) : () -> ()
    return
  }
}

module attributes {stable_mosaic.version = 14 : i64} {
  func.func @_tc_scores_body(%arg0: i32, %arg1: memref<2048x2048xf32, #tpu.memory_space<vmem>>, %arg2: memref<16x2048xf32, #tpu.memory_space<vmem>>, %arg3: memref<16x1xf32, #tpu.memory_space<vmem>>, %arg4: memref<4x16x512xf32, #tpu.memory_space<vmem>>) attributes {dimension_semantics = [#tpu.dimension_semantics<parallel>], iteration_bounds = array<i64: 8>, scalar_prefetch = 0 : i64, scratch_operands = 0 : i64, tpu.core_type = #tpu.core_type<tc>, window_params = [{transform_indices = @transform_0, window_bounds = array<i64: 2048, 2048>}, {pipeline_mode = #tpu.pipeline_mode<synchronous>, transform_indices = @transform_1, window_bounds = array<i64: 16, 2048>}, {pipeline_mode = #tpu.pipeline_mode<synchronous>, transform_indices = @transform_2, window_bounds = array<i64: 16, 1>}, {transform_indices = @transform_3, window_bounds = array<i64: 4, 16, 512>}]} {
    %get3A = arith.constant 0 : index
    %get3A_0 = arith.constant 0 : index
    %get3A_1 = vector.load %arg2[%get3A, %get3A_0] : memref<16x2048xf32, #tpu.memory_space<vmem>>, vector<16x2048xf32>
    %get3A_2 = arith.constant 0 : index
    %get3A_3 = arith.constant 0 : index
    %get3A_4 = vector.load %arg1[%get3A_2, %get3A_3] : memref<2048x2048xf32, #tpu.memory_space<vmem>>, vector<512x2048xf32>
    %dot_general3A = arith.constant dense<0.000000e+00> : vector<16x512xf32>
    %dot_general3A_5 = tpu.matmul %get3A_1, %get3A_4, %dot_general3A {dimension_numbers = #tpu.dot_dimension_numbers<[1], [1], [0], [0], [0, 0, 1, 0], [], []>, transpose_lhs_hint = false} : vector<16x2048xf32>, vector<512x2048xf32>, vector<16x512xf32> -> vector<16x512xf32>
    %get3A_6 = arith.constant 0 : index
    %get3A_7 = arith.constant 0 : index
    %get3A_8 = vector.load %arg3[%get3A_6, %get3A_7] : memref<16x1xf32, #tpu.memory_space<vmem>>, vector<16x1xf32>
    %add3A = vector.broadcast %get3A_8 : vector<16x1xf32> to vector<16x512xf32>
    %add3A_9 = arith.addf %dot_general3A_5, %add3A : vector<16x512xf32>
    %swap3A = arith.constant 0 : index
    %swap3A_10 = arith.constant 0 : index
    %swap3A_11 = arith.constant 0 : index
    %swap3A_12 = vector.load %arg4[%swap3A, %swap3A_10, %swap3A_11] : memref<4x16x512xf32, #tpu.memory_space<vmem>>, vector<1x16x512xf32>
    %swap3A_13 = vector.shape_cast %swap3A_12 : vector<1x16x512xf32> to vector<16x512xf32>
    %swap3A_14 = vector.shape_cast %add3A_9 : vector<16x512xf32> to vector<1x16x512xf32>
    tpu.vector_store %arg4[%swap3A, %swap3A_10, %swap3A_11], %swap3A_14 {strides = array<i32>} : memref<4x16x512xf32, #tpu.memory_space<vmem>>, vector<1x16x512xf32>,
    %get3A_15 = arith.constant 0 : index
    %get3A_16 = arith.constant 0 : index
    %get3A_17 = vector.load %arg2[%get3A_15, %get3A_16] : memref<16x2048xf32, #tpu.memory_space<vmem>>, vector<16x2048xf32>
    %get3A_18 = arith.constant 512 : index
    %get3A_19 = arith.constant 0 : index
    %get3A_20 = vector.load %arg1[%get3A_18, %get3A_19] : memref<2048x2048xf32, #tpu.memory_space<vmem>>, vector<512x2048xf32>
    %dot_general3A_21 = arith.constant dense<0.000000e+00> : vector<16x512xf32>
    %dot_general3A_22 = tpu.matmul %get3A_17, %get3A_20, %dot_general3A_21 {dimension_numbers = #tpu.dot_dimension_numbers<[1], [1], [0], [0], [0, 0, 1, 0], [], []>, transpose_lhs_hint = false} : vector<16x2048xf32>, vector<512x2048xf32>, vector<16x512xf32> -> vector<16x512xf32>
    %get3A_23 = arith.constant 0 : index
    %get3A_24 = arith.constant 0 : index
    %get3A_25 = vector.load %arg3[%get3A_23, %get3A_24] : memref<16x1xf32, #tpu.memory_space<vmem>>, vector<16x1xf32>
    %add3A_26 = vector.broadcast %get3A_25 : vector<16x1xf32> to vector<16x512xf32>
    %add3A_27 = arith.addf %dot_general3A_22, %add3A_26 : vector<16x512xf32>
    %swap3A_28 = arith.constant 1 : index
    %swap3A_29 = arith.constant 0 : index
    %swap3A_30 = arith.constant 0 : index
    %swap3A_31 = vector.load %arg4[%swap3A_28, %swap3A_29, %swap3A_30] : memref<4x16x512xf32, #tpu.memory_space<vmem>>, vector<1x16x512xf32>
    %swap3A_32 = vector.shape_cast %swap3A_31 : vector<1x16x512xf32> to vector<16x512xf32>
    %swap3A_33 = vector.shape_cast %add3A_27 : vector<16x512xf32> to vector<1x16x512xf32>
    tpu.vector_store %arg4[%swap3A_28, %swap3A_29, %swap3A_30], %swap3A_33 {strides = array<i32>} : memref<4x16x512xf32, #tpu.memory_space<vmem>>, vector<1x16x512xf32>,
    %get3A_34 = arith.constant 0 : index
    %get3A_35 = arith.constant 0 : index
    %get3A_36 = vector.load %arg2[%get3A_34, %get3A_35] : memref<16x2048xf32, #tpu.memory_space<vmem>>, vector<16x2048xf32>
    %get3A_37 = arith.constant 1024 : index
    %get3A_38 = arith.constant 0 : index
    %get3A_39 = vector.load %arg1[%get3A_37, %get3A_38] : memref<2048x2048xf32, #tpu.memory_space<vmem>>, vector<512x2048xf32>
    %dot_general3A_40 = arith.constant dense<0.000000e+00> : vector<16x512xf32>
    %dot_general3A_41 = tpu.matmul %get3A_36, %get3A_39, %dot_general3A_40 {dimension_numbers = #tpu.dot_dimension_numbers<[1], [1], [0], [0], [0, 0, 1, 0], [], []>, transpose_lhs_hint = false} : vector<16x2048xf32>, vector<512x2048xf32>, vector<16x512xf32> -> vector<16x512xf32>
    %get3A_42 = arith.constant 0 : index
    %get3A_43 = arith.constant 0 : index
    %get3A_44 = vector.load %arg3[%get3A_42, %get3A_43] : memref<16x1xf32, #tpu.memory_space<vmem>>, vector<16x1xf32>
    %add3A_45 = vector.broadcast %get3A_44 : vector<16x1xf32> to vector<16x512xf32>
    %add3A_46 = arith.addf %dot_general3A_41, %add3A_45 : vector<16x512xf32>
    %swap3A_47 = arith.constant 2 : index
    %swap3A_48 = arith.constant 0 : index
    %swap3A_49 = arith.constant 0 : index
    %swap3A_50 = vector.load %arg4[%swap3A_47, %swap3A_48, %swap3A_49] : memref<4x16x512xf32, #tpu.memory_space<vmem>>, vector<1x16x512xf32>
    %swap3A_51 = vector.shape_cast %swap3A_50 : vector<1x16x512xf32> to vector<16x512xf32>
    %swap3A_52 = vector.shape_cast %add3A_46 : vector<16x512xf32> to vector<1x16x512xf32>
    tpu.vector_store %arg4[%swap3A_47, %swap3A_48, %swap3A_49], %swap3A_52 {strides = array<i32>} : memref<4x16x512xf32, #tpu.memory_space<vmem>>, vector<1x16x512xf32>,
    %get3A_53 = arith.constant 0 : index
    %get3A_54 = arith.constant 0 : index
    %get3A_55 = vector.load %arg2[%get3A_53, %get3A_54] : memref<16x2048xf32, #tpu.memory_space<vmem>>, vector<16x2048xf32>
    %get3A_56 = arith.constant 1536 : index
    %get3A_57 = arith.constant 0 : index
    %get3A_58 = vector.load %arg1[%get3A_56, %get3A_57] : memref<2048x2048xf32, #tpu.memory_space<vmem>>, vector<512x2048xf32>
    %dot_general3A_59 = arith.constant dense<0.000000e+00> : vector<16x512xf32>
    %dot_general3A_60 = tpu.matmul %get3A_55, %get3A_58, %dot_general3A_59 {dimension_numbers = #tpu.dot_dimension_numbers<[1], [1], [0], [0], [0, 0, 1, 0], [], []>, transpose_lhs_hint = false} : vector<16x2048xf32>, vector<512x2048xf32>, vector<16x512xf32> -> vector<16x512xf32>
    %get3A_61 = arith.constant 0 : index
    %get3A_62 = arith.constant 0 : index
    %get3A_63 = vector.load %arg3[%get3A_61, %get3A_62] : memref<16x1xf32, #tpu.memory_space<vmem>>, vector<16x1xf32>
    %add3A_64 = vector.broadcast %get3A_63 : vector<16x1xf32> to vector<16x512xf32>
    %add3A_65 = arith.addf %dot_general3A_60, %add3A_64 : vector<16x512xf32>
    %swap3A_66 = arith.constant 3 : index
    %swap3A_67 = arith.constant 0 : index
    %swap3A_68 = arith.constant 0 : index
    %swap3A_69 = vector.load %arg4[%swap3A_66, %swap3A_67, %swap3A_68] : memref<4x16x512xf32, #tpu.memory_space<vmem>>, vector<1x16x512xf32>
    %swap3A_70 = vector.shape_cast %swap3A_69 : vector<1x16x512xf32> to vector<16x512xf32>
    %swap3A_71 = vector.shape_cast %add3A_65 : vector<16x512xf32> to vector<1x16x512xf32>
    tpu.vector_store %arg4[%swap3A_66, %swap3A_67, %swap3A_68], %swap3A_71 {strides = array<i32>} : memref<4x16x512xf32, #tpu.memory_space<vmem>>, vector<1x16x512xf32>,
    return
  }
  func.func @transform_0(%arg0: i32) -> (i32, i32) {
    %c0_i32 = arith.constant 0 : i32
    %c0_i32_0 = arith.constant 0 : i32
    return %arg0, %c0_i32 : i32, i32
  }
  func.func @transform_1(%arg0: i32) -> (i32, i32) {
    %c0_i32 = arith.constant 0 : i32
    %c0_i32_0 = arith.constant 0 : i32
    %c0_i32_1 = arith.constant 0 : i32
    return %c0_i32, %c0_i32_0 : i32, i32
  }
  func.func @transform_2(%arg0: i32) -> (i32, i32) {
    %c0_i32 = arith.constant 0 : i32
    %c0_i32_0 = arith.constant 0 : i32
    %c0_i32_1 = arith.constant 0 : i32
    return %c0_i32, %c0_i32_0 : i32, i32
  }
  func.func @transform_3(%arg0: i32) -> (i32, i32, i32) {
    %c0_i32 = arith.constant 0 : i32
    %c0_i32_0 = arith.constant 0 : i32
    %c0_i32_1 = arith.constant 0 : i32
    return %arg0, %c0_i32, %c0_i32_0 : i32, i32, i32
  }
}

</mosaic_0001>

<sc_bundles>
// kernel: kernel.4.cloned.1.call-start
scs
__scs_entry_jumppad:
0x0: {  	(pc) =	sbr.rel $0x88, $3  }
0x1: {  	(tag) =	ssettag $0x0;
	lr =	simm.s32 $0x1  }
0x2: {  	[smem:$0x3F9E] =	sst lr;
	_ =	strace $0xD0000000  }
0x3: {  	_ = 	snop  }
0x4: {  	_ = 	snop  }
0x5: {  	_ = 	snop  }
0x6: {  	_ = 	snop  }
0x7: {  	_ = 	snop  }
__scs_overlays_trampoline_lowered:
0x8: {  	[smem:$0x3FAD] =	sst s0  }
0x9: {  	[smem:$0x3FAE] =	sst s1  }
0xa: {  	[smem:$0x3FAF] =	sst s2  }
0xb: {  	[smem:$0x3FB0] =	sst s3  }
0xc: {  	[smem:$0x3FB1] =	sst s4  }
0xd: {  	[smem:$0x3FB2] =	sst s5  }
0xe: {  	[smem:$0x3FB3] =	sst s6  }
0xf: {  	[smem:$0x3FB4] =	sst s7  }
0x10: {  	[smem:$0x3FB5] =	sst s8  }
0x11: {  	[smem:$0x3FB6] =	sst s9;
	s0 =	simm.s32 @!p0 $0x0  }
0x12: {  	s1 =	sld [smem:$0x3F9C];
	s0 =	simm.s32 @p0 $0x1  }
0x13: {  	[smem:$0x3FB7] =	sst s0;
	s0 =	simm.s32 @!p1 $0x0  }
0x14: {  	s2 =	sld [smem:$0x3F9B];
	s0 =	simm.s32 @p1 $0x1  }
0x15: {  	[smem:$0x3FB8] =	sst s0;
	s0 =	simm.s32 @!p2 $0x0  }
0x16: {  	s3 =	sld [smem:$0x3FDB];
	s0 =	simm.s32 @p2 $0x1  }
0x17: {  	s4 =	simm.s32 $0x1BF5;
	[smem:$0x3FBA] =	sst s0  }
0x18: {  	s0 =	sld [smem:$0x3F9D];
	_ =	swait.ge [sflag:s4], $0x0  }
0x19: {  	s7 =	sld [smem:$0x3F9E]  }
0x1a: {  	s8 =	sadd.s32 $0xFFFFE003, lr  }
0x1b: {  	s9 =	sadd.s32 $0xFFFFFEF7, lr;
	s5 =	simm.s32 $0xFFFFFFFF;
	p2 =	slt.u32 s8, $0xFFFFF086  }
0x1c: {  	p1 =	slt.u32 s9, $0xF7A;
	s5 =	simm.s32 @!p2 $0x0  }
0x1d: {  	s5 =	simm.s32 @p1 $0x1;
	p0 =	seq.s32 s7, s2  }
0x1e: {  	s7 =	smul.u32 @!p0 $0xF7A, s2;
	p2 =	seq.s32 @!p0 s5, $0x0  }
0x1f: {  	s9 =	smul.u32 $0xF7A, s1;
	s8 =	simm.s32 @!p0 $0x1BF5;
	p2 =	por !p2, p0  }
0x20: {  	[sflag:s8] =	ssyncset.s32 @!p0 $0xFFFFF086;
	s6 =	sadd.s32 @!p0 s3, s7;
	s7 =	simm.s32 @!p0 $0x108  }
0x21: {  	s3 =	sadd.s32 s3, s9;
	s6 =	sadd.s32 @!p0 $0x88, s6;
	s7 =	simm.s32 @p2 $0x1082  }
0x22: {  	[simem:s7], [sflag:s8] =	dma.local @!p0 [hbm:s6], $0xF7A  }
0x23: {  	s9 =	sor.u32 $0xD0000000, s2;
	s6 =	simm.s32 $0x108;
	_ =	swait.ge @!p0 [sflag:s8], $0x0  }
0x24: {  	s3 =	sadd.s32 $0x88, s3;
	s6 =	simm.s32 @!p1 $0x1082;
	[sflag:s4] =	ssyncset.s32 $0xFFFFF086  }
0x25: {  	[simem:s6], [sflag:s4] =	dma.local [hbm:s3], $0xF7A  }
0x26: {  	[smem:$0x3F9E] =	sst s1;
	(tag) =	ssettag s2;
	_ =	strace s9  }
0x27: {  	s1 =	sld [smem:$0x3FAE]  }
0x28: {  	s2 =	sld [smem:$0x3FAF]  }
0x29: {  	s4 =	sld [smem:$0x3FB1]  }
0x2a: {  	p0 =	seq.s32 s5, $0x0;
	s5 =	sld [smem:$0x3FB2]  }
0x2b: {  	s6 =	sld [smem:$0x3FB3]  }
0x2c: {  	s7 =	sld [smem:$0x3FB4]  }
0x2d: {  	s3 =	simm.s32 $0x108;
	s8 =	sld [smem:$0x3FB5]  }
0x2e: {  	s3 =	simm.s32 @!p0 $0x1082;
	s9 =	sld [smem:$0x3FB6]  }
0x2f: {  	lr =	sadd.s32 s0, s3;
	s0 =	sld [smem:$0x3FAD]  }
0x30: {  	s3 =	sld [smem:$0x3FB0]  }
0x31: {  	[smem:$0x3FB9] =	sst s10  }
0x32: {  	s10 =	sld [smem:$0x3FB7];
	_ =	sdelay $0x3  }
0x33: {  	p0 =	seq.s32 s10, $0x1;
	s10 =	sld [smem:$0x3FB9];
	_ =	sdelay $0x3  }
0x34: {  	[smem:$0x3FB9] =	sst s10  }
0x35: {  	s10 =	sld [smem:$0x3FB8];
	_ =	sdelay $0x3  }
0x36: {  	p1 =	seq.s32 s10, $0x1;
	s10 =	sld [smem:$0x3FB9];
	_ =	sdelay $0x3  }
0x37: {  	[smem:$0x3FB9] =	sst s10  }
0x38: {  	s10 =	sld [smem:$0x3FBA]  }
0x39: {  	_ = 	snop;
	(pc) =	sbr.ind lr, $3  }
0x3a: {  	_ = 	snop  }
0x3b: {  	_ = 	snop  }
0x3c: {  	p2 =	seq.s32 s10, $0x1;
	s10 =	sld [smem:$0x3FB9]  }
0x3d: {  	_ =	shalt  }
0x3e: {  	_ =	shalt  }
0x3f: {  	_ =	shalt  }
0x40: {  	_ =	shalt  }
0x41: {  	_ =	shalt  }
0x42: {  	_ =	shalt  }
0x43: {  	_ =	shalt  }
0x44: {  	_ =	shalt  }
0x45: {  	_ =	shalt  }
0x46: {  	_ =	shalt  }
0x47: {  	_ =	shalt  }
0x48: {  	_ =	shalt  }
0x49: {  	_ =	shalt  }
0x4a: {  	_ =	shalt  }
0x4b: {  	_ =	shalt  }
0x4c: {  	_ =	shalt  }
0x4d: {  	_ =	shalt  }
0x4e: {  	_ =	shalt  }
0x4f: {  	_ =	shalt  }
0x50: {  	_ =	shalt  }
0x51: {  	_ =	shalt  }
0x52: {  	_ =	shalt  }
0x53: {  	_ =	shalt  }
0x54: {  	_ =	shalt  }
0x55: {  	_ =	shalt  }
0x56: {  	_ =	shalt  }
0x57: {  	_ =	shalt  }
0x58: {  	_ =	shalt  }
0x59: {  	_ =	shalt  }
0x5a: {  	_ =	shalt  }
0x5b: {  	_ =	shalt  }
0x5c: {  	_ =	shalt  }
0x5d: {  	_ =	shalt  }
0x5e: {  	_ =	shalt  }
0x5f: {  	_ =	shalt  }
0x60: {  	_ =	shalt  }
0x61: {  	_ =	shalt  }
0x62: {  	_ =	shalt  }
0x63: {  	_ =	shalt  }
0x64: {  	_ =	shalt  }
0x65: {  	_ =	shalt  }
0x66: {  	_ =	shalt  }
0x67: {  	_ =	shalt  }
0x68: {  	_ =	shalt  }
0x69: {  	_ =	shalt  }
0x6a: {  	_ =	shalt  }
0x6b: {  	_ =	shalt  }
0x6c: {  	_ =	shalt  }
0x6d: {  	_ =	shalt  }
0x6e: {  	_ =	shalt  }
0x6f: {  	_ =	shalt  }
0x70: {  	_ =	shalt  }
0x71: {  	_ =	shalt  }
0x72: {  	_ =	shalt  }
0x73: {  	_ =	shalt  }
0x74: {  	_ =	shalt  }
0x75: {  	_ =	shalt  }
0x76: {  	_ =	shalt  }
0x77: {  	_ =	shalt  }
0x78: {  	_ =	shalt  }
0x79: {  	_ =	shalt  }
0x7a: {  	_ =	shalt  }
0x7b: {  	_ =	shalt  }
0x7c: {  	_ =	shalt  }
0x7d: {  	_ =	shalt  }
0x7e: {  	_ =	shalt  }
0x7f: {  	_ =	shalt  }
0x80: {  	_ =	shalt  }
0x81: {  	_ =	shalt  }
0x82: {  	_ =	shalt  }
0x83: {  	_ =	shalt  }
0x84: {  	_ =	shalt  }
0x85: {  	_ =	shalt  }
0x86: {  	_ =	shalt  }
0x87: {  	_ =	shalt  }
.Lfunc_end0:
.L_simem_size_0:
called_computation_lowered:
.L_overlay_start_0:
0x88: {  	s2 =	sld [smem:$0x3FD9]  }
0x89: {  	s3 =	sld [smem:$0x3FFE];
	_ =	sdelay $0x1  }
0x8a: {  	s1 =	srdreg.scid  }
0x8b: {  	s0 =	sand.u32 $0x1, s1  }
0x8c: {  	s16 =	sshll.u32 s0, $0xA;
	s2 =	sadd.s32 s3, s2  }
0x8d: {  	s2 =	sadd.s32 s2, s16  }
0x8e: {  	[smem:$0x3FC5] =	sst s2  }
0x8f: {  	_ = 	snop  }
0x90: {  	(tm) =	ssettm $0x1  }
0x91: {  	s17 =	sld [smem:$0x3FFB];
	_ =	sdelay $0x3  }
0x92: {  	_ =	strace s17  }
0x93: {  	s2 =	sld [smem:$0x3FFC];
	_ =	sdelay $0x3  }
0x94: {  	_ =	strace s2  }
0x95: {  	s2 =	sld [smem:$0x3FFD];
	_ =	sdelay $0x3  }
0x96: {  	_ =	strace s2  }
0x97: {  	_ =	strace $0x8FFFFFFF  }
0x98: {  	s18 =	sld [smem:$0x3FDB];
	_ =	sdelay $0x1  }
0x99: {  	s19 =	simm.s32 $_scs_section_size  }
0x9a: {  	s4 =	simm.s32 $_size__tile_overlayer_lowered;
	s5 =	simm.s32 $_tile_overlayer_lowered  }
0x9b: {  	s22 =	simm.s32 $0x1BFF;
	s21 =	sshll.u32 s5, $0x1;
	s2 =	sadd.s32 s19, s18  }
0x9c: {  	s6 =	simm.s32 $0x0;
	s20 =	sshll.u32 s4, $0x1;
	s4 =	sadd.s32 s21, s2  }
0x9d: {  	[timem:s6], [sflag:s22] =	dma.local [hbm:s4], s20  }
0x9e: {  	_ =	swait.ge [sflag:s22], s20  }
0x9f: {  	s3 =	ssub.s32 $0x0, s20;
	[sflag:s22] =	ssyncset.done $0x0  }
0xa0: {  	[sflag:s22] =	ssyncadd.s32 s3;
	_ =	sdelay $0x1  }
0xa1: {  	s23 =	simm.s32 $0x1B8B  }
0xa2: {  	_ =	swait.ge [sflag:s23], $0x1  }
0xa3: {  	[sflag:s23] =	ssyncset.done $0x0  }
0xa4: {  	s25 =	simm.s32 $0x1B8E;
	s24 =	sld [smem:$0x3FFE];
	[sflag:s23] =	ssyncadd.s32 $0xFFFFFFFF  }
0xa5: {  	s26 =	simm.s32 $execute0_lowered;
	[smem:$0x3FD2] =	sst s25  }
0xa6: {  	s4 =	sshll.u32 s26, $0x1;
	_ =	strace $0x80000046;
	[dreg:$0x1] =	wrdreg $0xFFFFFFFF  }
0xa7: {  	s28 =	simm.s32 $_size_execute0_lowered;
	s2 =	sadd.s32 s2, s4;
	[dreg:$0x0] =	wrdreg $0x0  }
0xa8: {  	s4 =	sshll.u32 s28, $0x1;
	[dreg:$0x2] =	wrdreg s2  }
0xa9: {  	[dreg:$0x3] =	wrdreg s4  }
0xaa: {  	[dreg:$0x4] =	wrdreg $0xC0  }
0xab: {  	_ =	task [dreg:s6], $0x5FFFF  }
0xac: {  	[dreg:$0x1] =	wrdreg $0xFFFFFFFF  }
0xad: {  	[dreg:$0x0] =	wrdreg $0x60  }
0xae: {  	[dreg:$0x2] =	wrdreg s24  }
0xaf: {  	[dreg:$0x3] =	wrdreg $0x9  }
0xb0: {  	_ =	task.clear_ibuf [dreg:s6], $0x4FFFF;
	_ =	strace $0x90000046  }
0xb1: {  	s29 =	simm.s32 $0x9;
	_ =	strace $0x80000048  }
0xb2: {  	_ =	swait.ge [sflag:s29], $0x1  }
0xb3: {  	[sflag:s29] =	ssyncadd.s32 $0xFFFFFFFF  }
0xb4: {  	_ =	strace $0x90000048  }
0xb5: {  	_ =	sfence  }
0xb6: {  	s30 =	sld [smem:$0x0];
	_ =	sdelay $0x2  }
0xb7: {  	s31 =	sshll.u32 s1, $0xD;
	s1 =	sshrl.u32 s1, $0x2  }
0xb8: {  	s3 =	sand.u32 $0x4000, s31;
	s1 =	sadd.s32 s1, s30  }
0xb9: {  	s0 =	sor.u32 s3, s0;
	s1 =	sshll.u32 s1, $0x11  }
0xba: {  	s0 =	sor.u32 s1, s0  }
0xbb: {  	s0 =	sadd.s32 $0x8F2B, s0  }
0xbc: {  	[sflag:s0] =	ssyncadd.remote.s32 $0x1  }
0xbd: {  	_ =	sfence.sel $0xFFFF  }
0xbe: {  	[dreg:$0x0] =	wrdreg $0xFFFFFFFF;
	(pc) =	sbr.abs _section_cstart, $3  }
0xbf: {  	[dreg:$0x1] =	wrdreg $0xFFFFFFFF  }
0xc0: {  	_ =	task.clear_ibuf [dreg:s6], $0x2FFFF;
	_ =	strace $0x9FFFFFFF  }
0xc1: {  	(tm) =	ssettm $0x7FFFFFFF  }
tec
execute0_lowered:
.L_overlay_start_1:
0x0: {  	(tag) =	ssettag $0x1  }
0x1: {  	s3 =	rddreg [dreg:$0x0]  }
0x2: {  	s0 =	rddreg [dreg:$0x1]  }
0x3: {  	s2 =	simm.s32 $0x0;
	s4 =	srdreg.scid;
	s1 =	stileid.u32  }
0x4: {  	[smem:$0x7FF] =	sst s2;
	s4 =	sand.u32 $0x1, s4;
	s5 =	sshll.u32 s1, $0x1  }
0x5: {  	s8 =	simm.s32 $0x0;
	_ =	strace $0x80000047;
	s5 =	sor.u32 s4, s5  }
0x6: {  	s4 =	ssub.s32 $0x2, s4;
	s6 =	sshll.u32 s5, $0xA;
	s5 =	sshll.u32 s5, $0x8  }
0x7: {  	v0 =	vimm.s32 $0x0;
	v1 =	vimm.s32 $0x2;
	s7 =	sshrl.u32 s4, $0x1;
	s6 =	sadd.s32 s6, s3;
	s5 =	sadd.s32 s5, s3  }
0x8: {  	v2 =	vimm.s32 $0x4;
	v3 =	vimm.s32 $0x6;
	v4 =	vimm.s32 $0x8;
	s7 =	ssub.s32 s4, s7;
	s3 =	sadd.s32 $0xC00, s6;
	s4 =	sadd.s32 $0x8C00, s5  }
0x9: {  	v5 =	vimm.s32 $0xA;
	v6 =	vimm.s32 $0xC;
	v7 =	vimm.s32 $0xE;
	s5 =	smax.u32 s7, $0x1;
	s6 =	simm.s32 $0x1;
	s7 =	simm.s32 $0x2000  }
.LBB2_1:
0xa: {  	[tilespmem:s2], [sflag:$0x1] =	stream.linear.gather [hbm4b:s3+s2], $0x2000, $0x38;
	[tilespmem:$0x2800] =	vst v63  }
0xb: {  	s10 =	sand.u32 $0x60, s2;
	s9 =	simm.s32 $0x0;
	_ =	swait.ge [sflag:s6], $0x2000  }
0xc: {  	s9 =	sand.u32 $0x3FFFFC00, s9;
	s11 =	sor.u32 $0x10, s10;
	[sflag:s6] =	ssyncset.done $0x0  }
0xd: {  	s12 =	sor.u32 s11, s9;
	[sflag:s6] =	ssyncadd.s32 $0xFFFFE000  }
0xe: {  	v11 =	vld [tilespmem:s12+$0x0]  }
0xf: {  	v16 =	vld [tilespmem:s12+$0x80]  }
0x10: {  	v17 =	vld [tilespmem:s12+$0x100]  }
0x11: {  	v18 =	vld [tilespmem:s12+$0x180]  }
0x12: {  	v19 =	vld [tilespmem:s12+$0x200]  }
0x13: {  	v20 =	vld [tilespmem:s12+$0x280]  }
0x14: {  	s14 =	sadd.s32 $0x1000, s9;
	v21 =	vld [tilespmem:s12+$0x300]  }
0x15: {  	s15 =	sadd.s32 $0x1080, s9;
	s23 =	sor.u32 s11, s14;
	v22 =	vld [tilespmem:s12+$0x380]  }
0x16: {  	s16 =	sadd.s32 $0x1100, s9;
	s24 =	sor.u32 s11, s15;
	v23 =	vld [tilespmem:s23+$0x0]  }
0x17: {  	s17 =	sadd.s32 $0x1180, s9;
	s25 =	sor.u32 s11, s16;
	v24 =	vld [tilespmem:s24+$0x0]  }
0x18: {  	s18 =	sadd.s32 $0x1200, s9;
	s26 =	sor.u32 s11, s17;
	v25 =	vld [tilespmem:s25+$0x0]  }
0x19: {  	s19 =	sadd.s32 $0x1280, s9;
	s28 =	sor.u32 s11, s18;
	v26 =	vld [tilespmem:s26+$0x0]  }
0x1a: {  	s13 =	sadd.s32 $0x1300, s9;
	s20 =	sor.u32 s11, s19;
	v27 =	vld [tilespmem:s28+$0x0]  }
0x1b: {  	s29 =	sadd.s32 $0x1380, s9;
	s30 =	sor.u32 s11, s13;
	v28 =	vld [tilespmem:s20+$0x0]  }
0x1c: {  	s31 =	sor.u32 s11, s29;
	v29 =	vld [tilespmem:s30+$0x0]  }
0x1d: {  	v30 =	vld [tilespmem:s31+$0x0];
	vm0 =	vgt.f32 v16, v11  }
0x1e: {  	vm1 =	vgt.f32 v18, v17;
	vm2 =	vgt.f32 v20, v19;
	vm3 =	vgt.f32 v22, v21  }
0x1f: {  	v10 =	vsel vm0, $0x1, v0;
	v15 =	vsel vm1, $0x3, v1;
	v31 =	vsel vm2, $0x5, v2  }
0x20: {  	v32 =	vsel vm0, v16, v11;
	v33 =	vsel vm1, v18, v17;
	v34 =	vsel vm3, $0x7, v3  }
0x21: {  	v35 =	vsel vm2, v20, v19;
	v36 =	vsel vm3, v22, v21;
	vm0 =	vgt.f32 v24, v23  }
0x22: {  	vm1 =	vgt.f32 v26, v25;
	vm2 =	vgt.f32 v28, v27;
	vm3 =	vgt.f32 v30, v29  }
0x23: {  	v37 =	vsel vm0, $0x9, v4;
	v38 =	vsel vm1, $0xB, v5;
	v39 =	vsel vm2, $0xD, v6  }
0x24: {  	v40 =	vsel vm3, $0xF, v7;
	vm4 =	vgt.f32 v33, v32;
	vm5 =	vgt.f32 v36, v35  }
0x25: {  	v41 =	vsel vm0, v24, v23;
	v42 =	vsel vm1, v26, v25;
	v43 =	vsel vm2, v28, v27  }
0x26: {  	v44 =	vsel vm3, v30, v29;
	v10 =	vsel vm4, v15, v10;
	v31 =	vsel vm5, v34, v31  }
0x27: {  	v32 =	vsel vm4, v33, v32;
	vm0 =	vgt.f32 v42, v41;
	vm1 =	vgt.f32 v44, v43  }
0x28: {  	v63 =	vsel vm5, v36, v35;
	v45 =	vsel vm0, v42, v41;
	v46 =	vsel vm1, v44, v43  }
0x29: {  	v47 =	vsel vm0, v38, v37;
	vm0 =	vgt.f32 v63, v32;
	vm2 =	vgt.f32 v46, v45  }
0x2a: {  	v48 =	vsel vm1, v40, v39;
	v32 =	vsel vm0, v63, v32;
	v49 =	vsel vm2, v46, v45  }
0x2b: {  	v10 =	vsel vm0, v31, v10;
	v31 =	vsel vm2, v48, v47;
	vm15 =	vgt.f32 v49, v32  }
0x2c: {  	v50 =	vimm.s32 $0x0;
	v10 =	vsel vm15, v31, v10  }
0x2d: {  	v51 =	vimm.s32 $0x0;
	v31 =	vimm.s32 $0x0;
	vm1 =	veq.s32 v10, $0x0  }
0x2e: {  	vm2 =	veq.s32 v10, $0x1;
	vm3 =	veq.s32 v10, $0x2;
	vm4 =	veq.s32 v10, $0x3  }
0x2f: {  	vm5 =	veq.s32 v10, $0x4;
	vm6 =	veq.s32 v10, $0x5;
	vm7 =	veq.s32 v10, $0x6  }
0x30: {  	vm8 =	veq.s32 v10, $0x7;
	vm9 =	veq.s32 v10, $0x8;
	vm12 =	veq.s32 v10, $0x9  }
0x31: {  	vm13 =	veq.s32 v10, $0xA;
	vm14 =	veq.s32 v10, $0xB;
	v11 =	vsel vm1, $0xFF800000, v11  }
0x32: {  	vm1 =	veq.s32 v10, $0xC;
	v16 =	vsel vm2, $0xFF800000, v16;
	vm2 =	veq.s32 v10, $0xD  }
0x33: {  	v17 =	vsel vm3, $0xFF800000, v17;
	vm3 =	veq.s32 v10, $0xE;
	v18 =	vsel vm4, $0xFF800000, v18  }
0x34: {  	vm4 =	veq.s32 v10, $0xF;
	v19 =	vsel vm5, $0xFF800000, v19;
	v20 =	vsel vm6, $0xFF800000, v20  }
0x35: {  	s14 =	sor.u32 s10, s14;
	v21 =	vsel vm7, $0xFF800000, v21;
	v22 =	vsel vm8, $0xFF800000, v22;
	v23 =	vsel vm9, $0xFF800000, v23  }
0x36: {  	s15 =	sor.u32 s10, s15;
	v8 =	vld [tilespmem:s14+$0x0];
	v24 =	vsel vm12, $0xFF800000, v24;
	v25 =	vsel vm13, $0xFF800000, v25;
	v26 =	vsel vm14, $0xFF800000, v26  }
0x37: {  	s16 =	sor.u32 s10, s16;
	v9 =	vld [tilespmem:s15+$0x0];
	v27 =	vsel vm1, $0xFF800000, v27;
	v28 =	vsel vm2, $0xFF800000, v28;
	v29 =	vsel vm3, $0xFF800000, v29  }
0x38: {  	s17 =	sor.u32 s10, s17;
	v12 =	vld [tilespmem:s16+$0x0];
	v30 =	vsel vm4, $0xFF800000, v30;
	vm14 =	vgt.f32 v16, v11;
	vm13 =	vgt.f32 v18, v17  }
0x39: {  	s18 =	sor.u32 s10, s18;
	v13 =	vld [tilespmem:s17+$0x0];
	vm12 =	vgt.f32 v20, v19;
	vm3 =	vgt.f32 v22, v21;
	vm8 =	vgt.f32 v24, v23  }
0x3a: {  	s19 =	sor.u32 s10, s19;
	v14 =	vld [tilespmem:s18+$0x0];
	vm9 =	vgt.f32 v26, v25;
	v31 =	vsel vm3, $0xFFFFFFFF, v31;
	v11 =	vsel vm14, v16, v11  }
0x3b: {  	s13 =	sor.u32 s10, s13;
	v15 =	vld [tilespmem:s19+$0x0];
	vm1 =	vgt.f32 v28, v27;
	vm2 =	vgt.f32 v30, v29;
	v17 =	vsel vm13, v18, v17;
	[tilespmem:$0x1FEB0] =	vst v31  }
0x3c: {  	s12 =	sor.u32 s10, s29;
	v19 =	vsel vm12, v20, v19;
	v20 =	vsel vm3, v22, v21;
	v34 =	vsel vm1, $0xFFFFFFFF, v50;
	v31 =	vld [tilespmem:s13+$0x0]  }
0x3d: {  	v21 =	vsel vm8, v24, v23;
	v23 =	vsel vm9, v26, v25;
	v16 =	vld [tilespmem:s12+$0x0];
	[tilespmem:$0x1FEC0] =	vst v34;
	v34 =	vsel vm2, $0xFFFFFFFF, v51  }
0x3e: {  	s9 =	sor.u32 s10, s9;
	v25 =	vimm.s32 $0x0;
	v24 =	vsel vm1, v28, v27;
	vm3 =	vgt.f32 v17, v11;
	[tilespmem:$0x1FED0] =	vst v34  }
0x3f: {  	vm1 =	vgt.f32 v20, v19;
	v27 =	vimm.s32 $0x0;
	v25 =	vsel vm3, $0xFFFFFFFF, v25;
	v18 =	vld [tilespmem:s9+$0x0]  }
0x40: {  	v27 =	vsel vm1, $0xFFFFFFFF, v27;
	v22 =	vld [tilespmem:s9+$0x80];
	[tilespmem:$0x1FEE0] =	vst v25  }
0x41: {  	v26 =	vsel vm2, v30, v29;
	vm2 =	vgt.f32 v23, v21;
	v25 =	vld [tilespmem:s9+$0x100];
	[tilespmem:$0x1FEF0] =	vst v27;
	v27 =	vimm.s32 $0x0  }
0x42: {  	v60 =	vimm.s32 $0x0;
	v27 =	vsel vm2, $0xFFFFFFFF, v27  }
0x43: {  	v11 =	vsel vm3, v17, v11;
	vm3 =	vgt.f32 v26, v24;
	v17 =	vld [tilespmem:s9+$0x180];
	[tilespmem:$0x1FF00] =	vst v27;
	v27 =	vimm.s32 $0x0  }
0x44: {  	vm11 =	vgt.f32 v13, v12;
	vm0 =	vgt.f32 v15, v14;
	v27 =	vsel vm3, $0xFFFFFFFF, v27  }
0x45: {  	vm10 =	vgt.f32 v9, v8;
	v52 =	vsel vm11, $0xB, v5;
	v54 =	vsel vm0, v15, v14;
	[tilespmem:$0x1FF10] =	vst v27  }
0x46: {  	v55 =	vsel vm0, $0xD, v6;
	v28 =	vsel vm10, $0x9, v4;
	v19 =	vsel vm1, v20, v19;
	v20 =	vld [tilespmem:s9+$0x200]  }
0x47: {  	v30 =	vsel vm11, v13, v12;
	v21 =	vsel vm2, v23, v21;
	v23 =	vsel vm3, v26, v24;
	v26 =	vld [tilespmem:s9+$0x280]  }
0x48: {  	v24 =	vsel vm15, v49, v32;
	vm11 =	vgt.f32 v23, v21;
	vm1 =	vgt.f32 v16, v31;
	v29 =	vld [tilespmem:s9+$0x300]  }
0x49: {  	v58 =	vsel vm1, v16, v31;
	v27 =	vsel vm10, v9, v8;
	vm10 =	vgt.f32 v19, v11;
	v53 =	vld [tilespmem:s9+$0x380]  }
0x4a: {  	vm0 =	vgt.f32 v22, v18;
	v11 =	vsel vm10, v19, v11;
	v19 =	vsel vm11, v23, v21  }
0x4b: {  	v21 =	vsel vm0, v22, v18;
	v23 =	vsel vm0, $0x1, v0;
	vm0 =	vgt.f32 v17, v25  }
0x4c: {  	v59 =	vsel vm1, $0xF, v7;
	vm1 =	vgt.f32 v19, v11;
	v56 =	vsel vm0, v17, v25  }
0x4d: {  	v57 =	vsel vm0, $0x3, v1;
	v11 =	vsel vm1, v19, v11;
	vm0 =	vgt.f32 v26, v20  }
0x4e: {  	v61 =	vsel vm0, v26, v20;
	v62 =	vsel vm0, $0x5, v2;
	vm0 =	vgt.f32 v53, v29  }
0x4f: {  	v63 =	vsel vm0, v53, v29;
	v45 =	vsel vm0, $0x7, v3;
	vm0 =	vgt.f32 v30, v27  }
0x50: {  	v40 =	vsel vm1, $0xFFFFFFFF, v60;
	v11 =	vsub.f32 v11, v24;
	v27 =	vsel vm0, v30, v27  }
0x51: {  	v28 =	vsel vm0, v52, v28;
	vm0 =	vgt.f32 v58, v54;
	vm1 =	vgt.f32 v63, v61  }
0x52: {  	v30 =	vsel vm0, v58, v54;
	v46 =	vsel vm0, v59, v55;
	vm0 =	vgt.f32 v56, v21  }
0x53: {  	v19 =	vsel vm0, v56, v21;
	v21 =	vsel vm0, v57, v23;
	v23 =	vsel vm1, v63, v61  }
0x54: {  	v24 =	vsel vm1, v45, v62;
	vm0 =	vgt.f32 v30, v27;
	vm1 =	vgt.f32 v23, v19  }
0x55: {  	v11 =	vmul.f32 $1.442695020e+00, v11;
	v27 =	vsel vm0, v30, v27;
	v19 =	vsel vm1, v23, v19  }
0x56: {  	v21 =	vsel vm1, v24, v21;
	v23 =	vsel vm0, v46, v28;
	vm0 =	vgt.f32 v27, v19  }
0x57: {  	(erf) = vpow2.f32 v11;
	v11 =	vsel vm0, v23, v21  }
0x58: {  	v47 =	vsel vm14, $0x1, v0;
	v30 =	vsel vm0, v27, v19;
	vm0 =	veq.s32 v11, $0x0  }
0x59: {  	vm1 =	veq.s32 v11, $0x1;
	v18 =	vsel vm0, $0xFF800000, v18;
	vm0 =	veq.s32 v11, $0x2  }
0x5a: {  	v19 =	vsel vm1, $0xFF800000, v22;
	vm1 =	veq.s32 v11, $0x3;
	v21 =	vsel vm0, $0xFF800000, v25  }
0x5b: {  	vm0 =	veq.s32 v11, $0x4;
	v17 =	vsel vm1, $0xFF800000, v17;
	vm1 =	veq.s32 v11, $0x5  }
0x5c: {  	v20 =	vsel vm0, $0xFF800000, v20;
	vm0 =	veq.s32 v11, $0x6;
	v22 =	vsel vm1, $0xFF800000, v26  }
0x5d: {  	vm1 =	veq.s32 v11, $0x7;
	v23 =	vsel vm0, $0xFF800000, v29;
	vm0 =	veq.s32 v11, $0x8  }
0x5e: {  	v24 =	vsel vm1, $0xFF800000, v53;
	vm1 =	veq.s32 v11, $0x9;
	v8 =	vsel vm0, $0xFF800000, v8  }
0x5f: {  	vm0 =	veq.s32 v11, $0xA;
	v9 =	vsel vm1, $0xFF800000, v9;
	vm1 =	veq.s32 v11, $0xB  }
0x60: {  	vm14 =	vgt.f32 v24, v23;
	v12 =	vsel vm0, $0xFF800000, v12;
	vm0 =	veq.s32 v11, $0xC  }
0x61: {  	v13 =	vsel vm1, $0xFF800000, v13;
	vm1 =	veq.s32 v11, $0xD;
	v14 =	vsel vm0, $0xFF800000, v14  }
0x62: {  	vm0 =	veq.s32 v11, $0xE;
	v15 =	vsel vm1, $0xFF800000, v15;
	vm1 =	veq.s32 v11, $0xF  }
0x63: {  	vm3 =	vgt.f32 v13, v12;
	v25 =	vsel vm0, $0xFF800000, v31;
	vm0 =	vgt.f32 v19, v18  }
0x64: {  	s20 =	simm.s32 $0x100;
	s9 =	simm.s32 $0x20;
	v16 =	vsel vm1, $0xFF800000, v16;
	vm1 =	vgt.f32 v17, v21;
	vm2 =	vgt.f32 v15, v14  }
0x65: {  	s14 =	sand.u32 $0x3FFFFC00, s20;
	s12 =	sand.u32 $0x60, s9;
	v18 =	vsel vm0, v19, v18;
	v29 =	vsel vm0, $0x1, v0;
	vm0 =	vgt.f32 v22, v20  }
0x66: {  	s18 =	sadd.s32 $0x1080, s14;
	v48 =	vld [tilespmem:$0x1FEB0];
	s13 =	sor.u32 $0x10, s12;
	v17 =	vsel vm1, v17, v21;
	v31 =	vsel vm1, $0x3, v1;
	vm1 =	vgt.f32 v9, v8  }
0x67: {  	s20 =	sadd.s32 $0x1180, s14;
	v51 =	vld [tilespmem:$0x1FED0];
	[tilespmem:$0x1FF20] =	vst v40;
	s23 =	sor.u32 s13, s18;
	v20 =	vsel vm0, v22, v20;
	v22 =	vsel vm0, $0x5, v2;
	v8 =	vsel vm1, v9, v8  }
0x68: {  	s28 =	sadd.s32 $0x1300, s14;
	s25 =	sor.u32 s13, s20;
	v36 =	vld [tilespmem:s23+$0x0];
	v9 =	vsel vm3, v13, v12;
	vm0 =	vgt.f32 v16, v25;
	v12 =	vsel vm2, v15, v14  }
0x69: {  	s29 =	sadd.s32 $0x1380, s14;
	s30 =	sor.u32 s13, s28;
	v38 =	vld [tilespmem:s25+$0x0];
	v24 =	vsel vm14, v24, v23;
	v13 =	vsel vm0, v16, v25  }
0x6a: {  	s31 =	sor.u32 s13, s29;
	v34 =	vld [tilespmem:s30+$0x0];
	vm5 =	vgt.f32 v17, v18;
	vm6 =	vgt.f32 v9, v8;
	vm7 =	vgt.f32 v13, v12  }
0x6b: {  	s21 =	sor.u32 s13, s14;
	v35 =	vld [tilespmem:s31+$0x0];
	vm4 =	vgt.f32 v24, v20;
	v8 =	vsel vm6, v9, v8;
	v9 =	vsel vm7, v13, v12;
	v12 =	vpop (erf)  }
0x6c: {  	v28 =	vld [tilespmem:s21+$0x380];
	v14 =	vsel vm5, v17, v18;
	v15 =	vsel vm4, v24, v20;
	v20 =	vadd.f32 $1.000000000e+00, v12  }
0x6d: {  	v27 =	vld [tilespmem:s21+$0x300];
	v16 =	vsel vm1, $0x9, v4;
	v17 =	vsel vm0, $0xF, v7;
	v13 =	vsel vm14, $0x7, v3  }
0x6e: {  	vm15 =	vgt.f32 v9, v8;
	(erf) = vrcp.f32 v20;
	v20 =	vsel vm5, v31, v29;
	v31 =	vld [tilespmem:$0x1FEC0]  }
0x6f: {  	v26 =	vld [tilespmem:s21+$0x280];
	vm14 =	vgt.f32 v15, v14;
	v8 =	vsel vm15, v9, v8;
	v9 =	vsel vm3, $0xB, v5  }
0x70: {  	v14 =	vsel vm14, v15, v14;
	v15 =	vsel vm2, $0xD, v6;
	v9 =	vsel vm6, v9, v16;
	v16 =	vld [tilespmem:$0x1FEE0]  }
0x71: {  	v50 =	vsel vm9, $0xB, v5;
	vm0 =	vnez.u8 v48;
	v15 =	vsel vm7, v17, v15;
	v17 =	vld [tilespmem:$0x1FEF0]  }
0x72: {  	v49 =	vsel vm8, $0x9, v4;
	v21 =	vld [tilespmem:s21+$0x100];
	v18 =	vsel vm13, $0x3, v1;
	v33 =	vsel vm0, $0x7, v3  }
0x73: {  	v24 =	vld [tilespmem:s21+$0x180];
	v13 =	vsel vm4, v13, v22;
	vm3 =	vgt.f32 v28, v27;
	vm0 =	vnez.u8 v31  }
0x74: {  	v25 =	vld [tilespmem:s21+$0x200];
	vm2 =	vgt.f32 v8, v14;
	v31 =	vsel vm0, $0xD, v6;
	vm0 =	vnez.u8 v51  }
0x75: {  	v23 =	vld [tilespmem:s21+$0x80];
	v54 =	vsel vm3, $0x7, v3;
	v37 =	vsel vm0, $0xF, v7;
	vm0 =	vnez.u8 v16  }
0x76: {  	s19 =	sadd.s32 $0x1100, s14;
	v56 =	vsel vm3, v28, v27;
	v16 =	vsel vm0, v18, v47;
	vm0 =	vnez.u8 v17;
	v17 =	vld [tilespmem:$0x1FF00]  }
0x77: {  	s24 =	sor.u32 s13, s19;
	vm3 =	vgt.f32 v35, v34;
	v8 =	vsel vm2, v8, v14;
	v14 =	vsel vm12, $0x5, v2;
	v18 =	vld [tilespmem:$0x1FF10]  }
0x78: {  	s17 =	sadd.s32 $0x1000, s14;
	v29 =	vld [tilespmem:s24+$0x0];
	v13 =	vsel vm14, v13, v20;
	v9 =	vsel vm15, v15, v9;
	vm1 =	vgt.f32 v24, v21  }
0x79: {  	s22 =	sor.u32 s13, s17;
	v19 =	vld [tilespmem:s21+$0x0];
	v8 =	vsub.f32 v8, v30;
	v13 =	vsel vm2, v9, v13;
	vm2 =	vgt.f32 v26, v25  }
0x7a: {  	v30 =	vld [tilespmem:s22+$0x0];
	v20 =	vsel vm1, $0x3, v1;
	v53 =	vsel vm1, v24, v21;
	v22 =	vsel vm2, $0x5, v2  }
0x7b: {  	s21 =	sadd.s32 $0x1200, s14;
	v55 =	vsel vm2, v26, v25;
	v14 =	vsel vm0, v33, v14;
	vm0 =	vnez.u8 v17  }
0x7c: {  	s26 =	sor.u32 s13, s21;
	s22 =	sadd.s32 $0x1280, s14;
	vm5 =	vgt.f32 v56, v55;
	v17 =	vsel vm0, v50, v49;
	vm0 =	vnez.u8 v18  }
0x7d: {  	v32 =	vld [tilespmem:s26+$0x0];
	s23 =	sor.u32 s13, s22;
	vm1 =	vgt.f32 v38, v29;
	v40 =	vsel vm5, v54, v22;
	v18 =	vsel vm0, v37, v31  }
0x7e: {  	v59 =	vsel vm5, v56, v55;
	v31 =	vld [tilespmem:s23+$0x0];
	vm0 =	vgt.f32 v23, v19;
	v9 =	vsel vm11, v18, v17  }
0x7f: {  	v17 =	vsel vm0, $0x1, v0;
	v52 =	vsel vm0, v23, v19;
	vm0 =	vgt.f32 v36, v30  }
0x80: {  	v58 =	vsel vm1, $0xB, v5;
	v48 =	vsel vm1, v38, v29;
	v47 =	vsel vm0, v36, v30  }
0x81: {  	v57 =	vsel vm0, $0x9, v4;
	vm4 =	vgt.f32 v53, v52;
	vm0 =	vgt.f32 v48, v47  }
0x82: {  	v17 =	vsel vm4, v20, v17;
	v37 =	vsel vm4, v53, v52;
	v60 =	vsel vm0, v48, v47  }
0x83: {  	v43 =	vsel vm0, v58, v57;
	vm0 =	vgt.f32 v59, v37;
	vm2 =	vgt.f32 v31, v32  }
0x84: {  	v50 =	vsel vm3, v35, v34;
	v40 =	vsel vm0, v40, v17;
	v17 =	vld [tilespmem:$0x1FF20];
	v49 =	vsel vm2, v31, v32  }
0x85: {  	vm1 =	vgt.f32 v50, v49  }
0x86: {  	v46 =	vsel vm3, $0xF, v7;
	v61 =	vsel vm1, v50, v49  }
0x87: {  	v33 =	vsel vm10, v14, v16;
	v45 =	vsel vm2, $0xD, v6;
	vm2 =	vgt.f32 v61, v60  }
0x88: {  	v37 =	vsel vm0, v59, v37;
	v62 =	vsel vm1, v46, v45;
	v63 =	vsel vm2, v61, v60  }
0x89: {  	v45 =	vsel vm2, v62, v43;
	vm0 =	vnez.u8 v17;
	vm4 =	vgt.f32 v63, v37  }
0x8a: {  	v17 =	vsel vm0, v9, v33;
	v9 =	vsel vm4, v45, v40  }
0x8b: {  	v8 =	vmul.f32 $1.442695020e+00, v8;
	vm0 =	veq.s32 v9, $0x0  }
0x8c: {  	vm5 =	veq.s32 v9, $0x1;
	vm6 =	veq.s32 v9, $0x2;
	vm7 =	veq.s32 v9, $0x3  }
0x8d: {  	vm8 =	veq.s32 v9, $0x4;
	vm9 =	veq.s32 v9, $0x5;
	vm10 =	veq.s32 v9, $0x6  }
0x8e: {  	vm11 =	veq.s32 v9, $0x7;
	vm12 =	veq.s32 v9, $0x8;
	vm13 =	veq.s32 v9, $0x9  }
0x8f: {  	vm14 =	veq.s32 v9, $0xA;
	vm15 =	veq.s32 v9, $0xB;
	v19 =	vsel vm0, $0xFF800000, v19  }
0x90: {  	vm0 =	veq.s32 v9, $0xC;
	v23 =	vsel vm5, $0xFF800000, v23;
	vm5 =	veq.s32 v9, $0xD  }
0x91: {  	v21 =	vsel vm6, $0xFF800000, v21;
	vm6 =	veq.s32 v9, $0xE;
	v24 =	vsel vm7, $0xFF800000, v24  }
0x92: {  	s18 =	sor.u32 s12, s18;
	vm7 =	veq.s32 v9, $0xF;
	v25 =	vsel vm8, $0xFF800000, v25;
	v26 =	vsel vm9, $0xFF800000, v26  }
0x93: {  	v15 =	vld [tilespmem:s18+$0x0];
	s26 =	sor.u32 s12, s22;
	v27 =	vsel vm10, $0xFF800000, v27;
	v28 =	vsel vm11, $0xFF800000, v28;
	v30 =	vsel vm12, $0xFF800000, v30  }
0x94: {  	s17 =	sor.u32 s12, s17;
	v22 =	vld [tilespmem:s26+$0x0];
	v46 =	vsel vm13, $0xFF800000, v36;
	v29 =	vsel vm14, $0xFF800000, v29;
	v47 =	vsel vm15, $0xFF800000, v38  }
0x95: {  	v14 =	vld [tilespmem:s17+$0x0];
	s23 =	sor.u32 s12, s19;
	v32 =	vsel vm0, $0xFF800000, v32;
	v31 =	vsel vm5, $0xFF800000, v31;
	v34 =	vsel vm6, $0xFF800000, v34  }
0x96: {  	s24 =	sor.u32 s12, s20;
	v16 =	vld [tilespmem:s23+$0x0];
	v35 =	vsel vm7, $0xFF800000, v35;
	vm0 =	vgt.f32 v23, v19;
	vm9 =	vgt.f32 v24, v21  }
0x97: {  	s25 =	sor.u32 s12, s21;
	v18 =	vld [tilespmem:s24+$0x0];
	vm10 =	vgt.f32 v26, v25;
	v19 =	vsel vm0, v23, v19;
	v23 =	vimm.s32 $0x0  }
0x98: {  	s15 =	sor.u32 s12, s28;
	v20 =	vld [tilespmem:s25+$0x0];
	vm11 =	vgt.f32 v28, v27;
	vm7 =	vgt.f32 v46, v30;
	v23 =	vsel vm9, $0xFFFFFFFF, v23  }
0x99: {  	v38 =	vld [tilespmem:s15+$0x0];
	vm8 =	vgt.f32 v47, v29;
	vm5 =	vgt.f32 v31, v32;
	[tilespmem:$0x1FF30] =	vst v23;
	v23 =	vimm.s32 $0x0  }
0x9a: {  	v21 =	vsel vm9, v24, v21;
	v24 =	vimm.s32 $0x0;
	v23 =	vsel vm10, $0xFFFFFFFF, v23  }
0x9b: {  	s16 =	sor.u32 s12, s29;
	v24 =	vsel vm11, $0xFFFFFFFF, v24;
	[tilespmem:$0x1FF40] =	vst v23;
	v23 =	vsel vm10, v26, v25;
	v25 =	vimm.s32 $0x0  }
0x9c: {  	vm6 =	vgt.f32 v35, v34;
	v26 =	vimm.s32 $0x0;
	v40 =	vld [tilespmem:s16+$0x0];
	[tilespmem:$0x1FF50] =	vst v24;
	v25 =	vsel vm7, $0xFFFFFFFF, v25  }
0x9d: {  	v24 =	vsel vm11, v28, v27;
	v26 =	vsel vm8, $0xFFFFFFFF, v26;
	v27 =	vimm.s32 $0x0;
	[tilespmem:$0x1FF60] =	vst v25  }
0x9e: {  	s14 =	sor.u32 s12, s14;
	v25 =	vsel vm7, v46, v30;
	[tilespmem:$0x1FF70] =	vst v26;
	v26 =	vsel vm8, v47, v29;
	v27 =	vsel vm5, $0xFFFFFFFF, v27  }
0x9f: {  	v29 =	vimm.s32 $0x0;
	vm7 =	vgt.f32 v24, v23;
	v28 =	vld [tilespmem:s14+$0x0];
	[tilespmem:$0x1FF80] =	vst v27;
	v27 =	vsel vm5, v31, v32  }
0xa0: {  	v29 =	vsel vm6, $0xFFFFFFFF, v29;
	vm5 =	vgt.f32 v21, v19;
	v31 =	vimm.s32 $0x0  }
0xa1: {  	[tilespmem:$0x1FF90] =	vst v29;
	v31 =	vsel vm5, $0xFFFFFFFF, v31;
	v19 =	vsel vm5, v21, v19;
	v21 =	vimm.s32 $0x0  }
0xa2: {  	v54 =	vimm.s32 $0x0;
	v29 =	vsel vm6, v35, v34;
	v30 =	vld [tilespmem:s14+$0x80];
	[tilespmem:$0x1FFA0] =	vst v31;
	v21 =	vsel vm7, $0xFFFFFFFF, v21  }
0xa3: {  	vm6 =	vgt.f32 v26, v25;
	v31 =	vld [tilespmem:s14+$0x100];
	[tilespmem:$0x1FFB0] =	vst v21;
	v21 =	vsel vm7, v24, v23;
	v23 =	vimm.s32 $0x0  }
0xa4: {  	(erf) = vpow2.f32 v8;
	vm3 =	vgt.f32 v15, v14;
	v23 =	vsel vm6, $0xFFFFFFFF, v23  }
0xa5: {  	vm5 =	vgt.f32 v29, v27;
	[tilespmem:$0x1FFC0] =	vst v23;
	v23 =	vsel vm6, v26, v25;
	v25 =	vimm.s32 $0x0  }
0xa6: {  	vm1 =	vgt.f32 v22, v20;
	v50 =	vimm.s32 $0x0;
	v25 =	vsel vm5, $0xFFFFFFFF, v25  }
0xa7: {  	v51 =	vsel vm1, v22, v20;
	v26 =	vsel vm4, v63, v37;
	vm4 =	vgt.f32 v21, v19;
	v24 =	vld [tilespmem:s14+$0x180];
	[tilespmem:$0x1FFD0] =	vst v25  }
0xa8: {  	v53 =	vsel vm1, $0xD, v6;
	v34 =	vsel vm4, $0xFFFFFFFF, v50;
	v25 =	vsel vm5, v29, v27;
	v48 =	vld [tilespmem:s14+$0x200]  }
0xa9: {  	vm2 =	vgt.f32 v18, v16;
	v19 =	vsel vm4, v21, v19;
	vm13 =	vgt.f32 v25, v23;
	v49 =	vld [tilespmem:s14+$0x280];
	[tilespmem:$0x1FFE0] =	vst v34  }
0xaa: {  	v27 =	vsel vm3, v15, v14;
	v29 =	vsel vm3, $0x9, v4;
	v21 =	vsel vm13, v25, v23;
	v34 =	vld [tilespmem:s14+$0x300]  }
0xab: {  	v23 =	vsel vm2, v18, v16;
	v25 =	vsel vm2, $0xB, v5;
	v52 =	vld [tilespmem:s14+$0x380];
	vm2 =	vgt.f32 v21, v19  }
0xac: {  	vm1 =	vgt.f32 v30, v28;
	v39 =	vsel vm2, $0xFFFFFFFF, v54;
	v19 =	vsel vm2, v21, v19  }
0xad: {  	v21 =	vsel vm1, v30, v28;
	vm2 =	vgt.f32 v24, v31;
	v19 =	vsub.f32 v19, v26  }
0xae: {  	v26 =	vsel vm1, $0x1, v0;
	v8 =	vsel vm2, v24, v31;
	vm1 =	vgt.f32 v40, v38  }
0xaf: {  	v55 =	vsel vm2, $0x3, v1;
	v56 =	vsel vm1, v40, v38;
	v57 =	vsel vm1, $0xF, v7  }
0xb0: {  	vm1 =	vgt.f32 v49, v48;
	v19 =	vmul.f32 $1.442695020e+00, v19;
	vm2 =	vgt.f32 v52, v34  }
0xb1: {  	v58 =	vsel vm1, v49, v48;
	v59 =	vsel vm2, v52, v34;
	v60 =	vsel vm2, $0x7, v3  }
0xb2: {  	vm2 =	vgt.f32 v8, v21;
	(erf) = vpow2.f32 v19;
	v19 =	vsel vm1, $0x5, v2  }
0xb3: {  	vm1 =	vgt.f32 v23, v27;
	vm3 =	vgt.f32 v59, v58;
	v8 =	vsel vm2, v8, v21  }
0xb4: {  	v23 =	vsel vm1, v23, v27;
	v25 =	vsel vm1, v25, v29;
	vm1 =	vgt.f32 v56, v51  }
0xb5: {  	v26 =	vsel vm2, v55, v26;
	v27 =	vsel vm3, v59, v58;
	v21 =	vsel vm1, v56, v51  }
0xb6: {  	v19 =	vsel vm3, v60, v19;
	vm4 =	vgt.f32 v27, v8;
	vm2 =	vgt.f32 v21, v23  }
0xb7: {  	v21 =	vsel vm2, v21, v23;
	v23 =	vsel vm4, v27, v8;
	v8 =	vsel vm1, v57, v53  }
0xb8: {  	v26 =	vsel vm4, v19, v26;
	vm1 =	vgt.f32 v21, v23;
	v25 =	vsel vm2, v8, v25  }
0xb9: {  	v61 =	vpop (erf);
	v19 =	vsel vm1, v21, v23;
	v21 =	vsel vm1, v25, v26  }
0xba: {  	v62 =	vmul.f32 v61, v12;
	v12 =	vsel vm0, $0x1, v0;
	v8 =	vpop (erf);
	vm0 =	veq.s32 v21, $0x0  }
0xbb: {  	vm1 =	veq.s32 v21, $0x1;
	v27 =	vadd.f32 $1.000000000e+00, v8;
	v23 =	vsel vm0, $0xFF800000, v28;
	v63 =	vpop (erf)  }
0xbc: {  	vm0 =	veq.s32 v21, $0x2;
	v25 =	vsel vm1, $0xFF800000, v30;
	v26 =	vadd.f32 $1.000000000e+00, v63  }
0xbd: {  	vm1 =	veq.s32 v21, $0x3;
	v29 =	vsel vm0, $0xFF800000, v31;
	vm0 =	veq.s32 v21, $0x4  }
0xbe: {  	v31 =	vsel vm1, $0xFF800000, v24;
	vm1 =	veq.s32 v21, $0x5;
	(erf) = vrcp.f32 v26  }
0xbf: {  	s28 =	simm.s32 $0x0;
	v24 =	vsel vm0, $0xFF800000, v48;
	vm0 =	veq.s32 v21, $0x6;
	vm14 =	vgt.f32 v31, v29  }
0xc0: {  	s14 =	sand.u32 $0x3FFFFE00, s28;
	v28 =	vsel vm0, $0xFF800000, v34;
	vm0 =	veq.s32 v21, $0x8;
	v26 =	vsel vm1, $0xFF800000, v49  }
0xc1: {  	s14 =	sadd.s32 $0x2000, s14;
	vm1 =	veq.s32 v21, $0x7;
	v32 =	vsel vm0, $0xFF800000, v14;
	vm0 =	veq.s32 v21, $0xA  }
0xc2: {  	s29 =	sor.u32 s11, s14;
	[tilespmem:$0x1FFF0] =	vst v39;
	v30 =	vsel vm1, $0xFF800000, v52;
	vm1 =	veq.s32 v21, $0x9;
	v33 =	vsel vm0, $0xFF800000, v16  }
0xc3: {  	[tilespmem:s29+$0x80] =	vst v62;
	vm0 =	veq.s32 v21, $0xC;
	v34 =	vsel vm1, $0xFF800000, v15;
	vm1 =	veq.s32 v21, $0xB  }
0xc4: {  	s10 =	sor.u32 s10, s14;
	[tilespmem:s29+$0x0] =	vst v61;
	v15 =	vsel vm0, $0xFF800000, v20;
	vm0 =	veq.s32 v21, $0xE;
	vm2 =	vgt.f32 v30, v28  }
0xc5: {  	s30 =	simm.s32 $0x80;
	[tilespmem:s10+$0x100] =	vst v11;
	v14 =	vsel vm1, $0xFF800000, v18;
	vm1 =	veq.s32 v21, $0xD;
	v16 =	vsel vm0, $0xFF800000, v38  }
0xc6: {  	s11 =	sand.u32 $0x3FFFFE00, s30;
	[tilespmem:s29+$0x100] =	vst v10;
	vm0 =	vgt.f32 v25, v23;
	v11 =	vsel vm1, $0xFF800000, v22;
	vm1 =	veq.s32 v21, $0xF  }
0xc7: {  	s31 =	sadd.s32 $0x2000, s11;
	[tilespmem:s10+$0x180] =	vst v13;
	vm4 =	vgt.f32 v34, v32;
	vm3 =	vgt.f32 v14, v33;
	v18 =	vsel vm1, $0xFF800000, v40;
	v10 =	vpop (erf)  }
0xc8: {  	s11 =	simm.s32 $0x2;
	[tilespmem:s29+$0x180] =	vst v17;
	s15 =	sor.u32 s12, s31;
	s14 =	sor.u32 s13, s31;
	vm1 =	vgt.f32 v26, v24;
	vm15 =	vgt.f32 v11, v15;
	v13 =	vmul.f32 v10, v63  }
.LBB2_2:
0xc9: {  	v17 =	vsel vm0, v25, v23;
	v20 =	vsel vm14, v31, v29;
	v22 =	vsel vm2, v30, v28;
	v28 =	vld [tilespmem:$0x1FF70]  }
0xca: {  	vm11 =	vgt.f32 v18, v16;
	[tilespmem:s14+$0x0] =	vst v10;
	v10 =	vsel vm3, v14, v33;
	v11 =	vsel vm15, v11, v15;
	v30 =	vld [tilespmem:$0x1FF90]  }
0xcb: {  	s11 =	sadd.s32 $0x2, s11;
	s9 =	sadd.s32 $0x20, s9;
	[tilespmem:s14+$0x80] =	vst v13;
	v13 =	vsel vm1, v26, v24;
	v24 =	vsel vm4, v34, v32;
	vm10 =	vgt.f32 v20, v17;
	v26 =	vld [tilespmem:$0x1FF60]  }
0xcc: {  	[tilespmem:s14+$0x100] =	vst v9;
	s12 =	sand.u32 $0x60, s9;
	s13 =	sshll.u32 s11, $0x7;
	v14 =	vsel vm11, v18, v16;
	vm8 =	vgt.f32 v22, v13;
	v9 =	vsel vm10, v20, v17;
	v20 =	vld [tilespmem:$0x1FF30]  }
0xcd: {  	s17 =	sand.u32 $0x3FFFFC00, s13;
	s13 =	sor.u32 $0x10, s12;
	vm9 =	vgt.f32 v10, v24;
	vm7 =	vgt.f32 v14, v11;
	v13 =	vsel vm8, v22, v13;
	v22 =	vld [tilespmem:$0x1FF40]  }
0xce: {  	s19 =	sor.u32 s13, s17;
	v10 =	vsel vm9, v10, v24;
	v11 =	vsel vm7, v14, v11;
	v24 =	vld [tilespmem:$0x1FF50]  }
0xcf: {  	[tilespmem:s15+$0x100] =	vst v21;
	v21 =	vld [tilespmem:s19+$0x0];
	vm5 =	vgt.f32 v13, v9;
	vm6 =	vgt.f32 v11, v10  }
0xd0: {  	v23 =	vld [tilespmem:s19+$0x80];
	v9 =	vsel vm5, v13, v9;
	v10 =	vsel vm6, v11, v10  }
0xd1: {  	v25 =	vld [tilespmem:s19+$0x100];
	v13 =	vsel vm0, $0x1, v0;
	vm0 =	vgt.f32 v10, v9  }
0xd2: {  	(erf) = vrcp.f32 v27;
	v27 =	vld [tilespmem:s19+$0x180];
	v9 =	vsel vm0, v10, v9  }
0xd3: {  	v14 =	vsel vm14, $0x3, v1;
	v29 =	vld [tilespmem:s19+$0x200];
	v9 =	vsub.f32 v9, v19  }
0xd4: {  	v31 =	vld [tilespmem:s19+$0x280];
	v11 =	vsel vm1, $0x5, v2;
	v13 =	vsel vm10, v14, v13;
	vm1 =	vnez.u8 v20  }
0xd5: {  	v14 =	vld [tilespmem:$0x1FF80];
	v20 =	vsel vm1, $0x3, v1;
	vm1 =	vnez.u8 v22;
	v9 =	vmul.f32 $1.442695020e+00, v9  }
0xd6: {  	v18 =	vsel vm11, $0xF, v7;
	s20 =	sadd.s32 $0x1000, s17;
	v58 =	vld [tilespmem:s19+$0x300];
	v10 =	vsel vm15, $0xD, v6;
	v22 =	vsel vm1, $0x5, v2  }
0xd7: {  	s23 =	sadd.s32 $0x1180, s17;
	s18 =	sor.u32 s12, s20;
	s20 =	sor.u32 s13, s20;
	vm1 =	vnez.u8 v24;
	(erf) = vpow2.f32 v9;
	v9 =	vsel vm7, v18, v10;
	v10 =	vld [tilespmem:$0x1FFA0]  }
0xd8: {  	s29 =	sor.u32 s13, s23;
	v35 =	vld [tilespmem:s20+$0x0];
	v24 =	vsel vm1, $0x7, v3;
	vm1 =	vnez.u8 v26  }
0xd9: {  	v15 =	vsel vm2, $0x7, v3;
	s25 =	sadd.s32 $0x1280, s17;
	v38 =	vld [tilespmem:s29+$0x0];
	v26 =	vsel vm1, $0x9, v4;
	vm1 =	vnez.u8 v28  }
0xda: {  	v17 =	vsel vm3, $0xB, v5;
	s31 =	sor.u32 s12, s25;
	s25 =	sor.u32 s13, s25;
	v19 =	vld [tilespmem:s19+$0x380];
	v28 =	vsel vm1, $0xB, v5;
	vm1 =	vnez.u8 v14  }
0xdb: {  	v39 =	vld [tilespmem:s25+$0x0];
	v11 =	vsel vm8, v15, v11;
	v14 =	vsel vm1, $0xD, v6;
	vm1 =	vnez.u8 v30  }
0xdc: {  	v11 =	vsel vm5, v11, v13;
	v13 =	vld [tilespmem:$0x1FFE0];
	v30 =	vsel vm1, $0xF, v7;
	vm1 =	vnez.u8 v10  }
0xdd: {  	v53 =	vimm.s32 $0x0;
	v16 =	vsel vm4, $0x9, v4;
	v10 =	vsel vm1, v20, v12;
	v12 =	vld [tilespmem:$0x1FFB0]  }
0xde: {  	v54 =	vimm.s32 $0x0;
	v56 =	vimm.s32 $0x0;
	s21 =	sadd.s32 $0x1080, s17;
	v15 =	vsel vm9, v17, v16;
	v17 =	vpop (erf);
	v18 =	vld [tilespmem:$0x1FFC0]  }
0xdf: {  	s22 =	sadd.s32 $0x1100, s17;
	s19 =	sor.u32 s12, s21;
	s21 =	sor.u32 s13, s21;
	vm2 =	vgt.f32 v31, v29;
	v8 =	vmul.f32 v17, v8;
	vm3 =	vgt.f32 v19, v58;
	v20 =	vld [tilespmem:$0x1FFD0]  }
0xe0: {  	s20 =	sor.u32 s12, s22;
	s22 =	sor.u32 s13, s22;
	v36 =	vld [tilespmem:s21+$0x0];
	v59 =	vsel vm2, v31, v29;
	[tilespmem:s10+$0x0] =	vst v17;
	v9 =	vsel vm6, v9, v15;
	v60 =	vsel vm3, v19, v58  }
0xe1: {  	s26 =	sadd.s32 $0x1300, s17;
	v37 =	vld [tilespmem:s22+$0x0];
	[tilespmem:s10+$0x80] =	vst v8;
	s10 =	smov.u32 s15;
	v9 =	vsel vm0, v9, v11;
	vm0 =	vgt.f32 v23, v21;
	vm5 =	vgt.f32 v60, v59  }
0xe2: {  	s24 =	sadd.s32 $0x1200, s17;
	s29 =	sor.u32 s13, s26;
	v8 =	vld [tilespmem:$0x1FFF0];
	[tilespmem:s10+$0x180] =	vst v9;
	v9 =	vsel vm0, $0x1, v0;
	v32 =	vsel vm5, v60, v59;
	vm1 =	vnez.u8 v12  }
0xe3: {  	s16 =	sor.u32 s12, s17;
	s17 =	sadd.s32 $0x1380, s17;
	s30 =	sor.u32 s13, s24;
	v40 =	vld [tilespmem:s29+$0x0];
	v16 =	vsel vm1, v24, v22;
	vm1 =	vnez.u8 v18;
	v24 =	vsel vm2, $0x5, v2  }
0xe4: {  	v12 =	vld [tilespmem:s30+$0x0];
	s30 =	sor.u32 s12, s17;
	s17 =	sor.u32 s13, s17;
	v18 =	vsel vm1, v28, v26;
	vm1 =	vnez.u8 v20;
	v26 =	vsel vm0, v23, v21  }
0xe5: {  	v41 =	vld [tilespmem:s17+$0x0];
	vm0 =	vgt.f32 v36, v35;
	v14 =	vsel vm1, v30, v14;
	vm1 =	vnez.u8 v13  }
0xe6: {  	v30 =	vsel vm3, $0x7, v3;
	v42 =	vsel vm0, $0x9, v4;
	v46 =	vsel vm0, v36, v35  }
0xe7: {  	v10 =	vsel vm1, v16, v10;
	v11 =	vsel vm13, v14, v18;
	vm1 =	vnez.u8 v8  }
0xe8: {  	s21 =	sor.u32 s12, s23;
	s23 =	sor.u32 s12, s24;
	v50 =	vsel vm5, v30, v24;
	v8 =	vsel vm1, v11, v10;
	vm1 =	vgt.f32 v27, v25  }
0xe9: {  	v15 =	vld [tilespmem:s23+$0x0];
	vm2 =	vgt.f32 v39, v12;
	v22 =	vsel vm1, $0x3, v1;
	v28 =	vsel vm1, v27, v25  }
0xea: {  	v13 =	vld [tilespmem:s20+$0x0];
	vm1 =	vgt.f32 v38, v37;
	vm3 =	vgt.f32 v41, v40;
	v44 =	vsel vm2, $0xD, v6  }
0xeb: {  	v10 =	vld [tilespmem:s18+$0x0];
	v48 =	vsel vm2, v39, v12;
	v43 =	vsel vm1, $0xB, v5;
	v45 =	vsel vm3, $0xF, v7  }
0xec: {  	v11 =	vld [tilespmem:s19+$0x0];
	vm4 =	vgt.f32 v28, v26;
	v47 =	vsel vm1, v38, v37;
	v49 =	vsel vm3, v41, v40  }
0xed: {  	v14 =	vld [tilespmem:s21+$0x0];
	v9 =	vsel vm4, v22, v9;
	vm0 =	vgt.f32 v47, v46;
	vm1 =	vgt.f32 v49, v48  }
0xee: {  	v16 =	vld [tilespmem:s31+$0x0];
	v30 =	vsel vm4, v28, v26;
	v61 =	vsel vm0, v47, v46;
	v62 =	vsel vm1, v49, v48  }
0xef: {  	v42 =	vsel vm0, v43, v42;
	vm0 =	vgt.f32 v32, v30;
	v63 =	vsel vm1, v45, v44  }
0xf0: {  	vm2 =	vgt.f32 v62, v61;
	v48 =	vsel vm0, v32, v30;
	v9 =	vsel vm0, v50, v9  }
0xf1: {  	vm0 =	vgt.f32 v11, v10;
	v49 =	vsel vm2, v62, v61;
	v51 =	vsel vm2, v63, v42  }
0xf2: {  	v42 =	vsel vm0, $0xFFFFFFFF, v53;
	vm0 =	vgt.f32 v14, v13;
	vm15 =	vgt.f32 v49, v48  }
0xf3: {  	[tilespmem:$0x1FE70] =	vst v42;
	v42 =	vsel vm0, $0xFFFFFFFF, v54;
	vm0 =	vgt.f32 v16, v15;
	v9 =	vsel vm15, v51, v9  }
0xf4: {  	v57 =	vimm.s32 $0x0;
	[tilespmem:$0x1FE80] =	vst v42;
	v42 =	vsel vm0, $0xFFFFFFFF, v56;
	vm1 =	veq.s32 v9, $0x0  }
0xf5: {  	vm3 =	veq.s32 v9, $0x1;
	vm4 =	veq.s32 v9, $0x2;
	vm5 =	veq.s32 v9, $0x3  }
0xf6: {  	vm6 =	veq.s32 v9, $0x4;
	vm7 =	veq.s32 v9, $0x5;
	vm8 =	veq.s32 v9, $0x6  }
0xf7: {  	vm9 =	veq.s32 v9, $0x7;
	vm10 =	veq.s32 v9, $0x8;
	vm11 =	veq.s32 v9, $0x9  }
0xf8: {  	vm12 =	veq.s32 v9, $0xA;
	vm13 =	veq.s32 v9, $0xB;
	vm2 =	veq.s32 v9, $0xC  }
0xf9: {  	vm14 =	veq.s32 v9, $0xD;
	vm0 =	veq.s32 v9, $0xF;
	v21 =	vsel vm1, $0xFF800000, v21  }
0xfa: {  	vm1 =	veq.s32 v9, $0xE;
	v23 =	vsel vm3, $0xFF800000, v23;
	v25 =	vsel vm4, $0xFF800000, v25  }
0xfb: {  	v27 =	vsel vm5, $0xFF800000, v27;
	v29 =	vsel vm6, $0xFF800000, v29;
	v31 =	vsel vm7, $0xFF800000, v31  }
0xfc: {  	v33 =	vsel vm8, $0xFF800000, v58;
	v19 =	vsel vm9, $0xFF800000, v19;
	v35 =	vsel vm10, $0xFF800000, v35  }
0xfd: {  	v36 =	vsel vm11, $0xFF800000, v36;
	v37 =	vsel vm12, $0xFF800000, v37;
	v38 =	vsel vm13, $0xFF800000, v38  }
0xfe: {  	v12 =	vsel vm2, $0xFF800000, v12;
	v39 =	vsel vm14, $0xFF800000, v39;
	v41 =	vsel vm0, $0xFF800000, v41  }
0xff: {  	v28 =	vld [tilespmem:s16+$0x200];
	v40 =	vsel vm1, $0xFF800000, v40;
	vm1 =	vgt.f32 v23, v21;
	vm5 =	vgt.f32 v27, v25  }
0x100: {  	v30 =	vld [tilespmem:s16+$0x280];
	vm6 =	vgt.f32 v31, v29;
	vm7 =	vgt.f32 v19, v33;
	vm3 =	vgt.f32 v36, v35  }
0x101: {  	v52 =	vld [tilespmem:s16+$0x300];
	vm4 =	vgt.f32 v38, v37;
	v21 =	vsel vm1, v23, v21;
	v23 =	vimm.s32 $0x0  }
0x102: {  	v55 =	vld [tilespmem:s16+$0x380];
	vm0 =	vgt.f32 v39, v12;
	vm2 =	vgt.f32 v41, v40;
	v23 =	vsel vm5, $0xFFFFFFFF, v23  }
0x103: {  	v19 =	vsel vm7, v19, v33;
	[tilespmem:$0x1FF30] =	vst v23;
	v23 =	vsel vm5, v27, v25;
	v27 =	vimm.s32 $0x0  }
0x104: {  	v12 =	vsel vm0, v39, v12;
	v25 =	vimm.s32 $0x0;
	v27 =	vsel vm7, $0xFFFFFFFF, v27  }
0x105: {  	vm5 =	vgt.f32 v30, v28;
	v25 =	vsel vm6, $0xFFFFFFFF, v25;
	[tilespmem:$0x1FF50] =	vst v27;
	v27 =	vimm.s32 $0x0  }
0x106: {  	[tilespmem:$0x1FF40] =	vst v25;
	v25 =	vsel vm6, v31, v29;
	v29 =	vimm.s32 $0x0;
	v27 =	vsel vm3, $0xFFFFFFFF, v27  }
0x107: {  	vm7 =	vgt.f32 v55, v52;
	v31 =	vimm.s32 $0x0;
	v29 =	vsel vm4, $0xFFFFFFFF, v29;
	[tilespmem:$0x1FF60] =	vst v27  }
0x108: {  	v31 =	vsel vm0, $0xFFFFFFFF, v31;
	vm0 =	vgt.f32 v23, v21;
	v27 =	vsel vm3, v36, v35;
	[tilespmem:$0x1FF70] =	vst v29  }
0x109: {  	v29 =	vsel vm4, v38, v37;
	[tilespmem:$0x1FF80] =	vst v31;
	v31 =	vimm.s32 $0x0;
	vm3 =	vgt.f32 v19, v25  }
0x10a: {  	v24 =	vld [tilespmem:s16+$0x100];
	v21 =	vsel vm0, v23, v21;
	v23 =	vimm.s32 $0x0;
	v31 =	vsel vm2, $0xFFFFFFFF, v31  }
0x10b: {  	v26 =	vld [tilespmem:s16+$0x180];
	v33 =	vsel vm0, $0xFFFFFFFF, v57;
	v23 =	vsel vm3, $0xFFFFFFFF, v23;
	v19 =	vsel vm3, v19, v25;
	[tilespmem:$0x1FF90] =	vst v31  }
0x10c: {  	s28 =	sor.u32 s12, s26;
	v31 =	vsel vm2, v41, v40;
	vm2 =	vgt.f32 v29, v27;
	[tilespmem:$0x1FFB0] =	vst v23;
	v23 =	vimm.s32 $0x0  }
0x10d: {  	v17 =	vld [tilespmem:s28+$0x0];
	v25 =	vimm.s32 $0x0;
	vm0 =	vgt.f32 v31, v12;
	v23 =	vsel vm2, $0xFFFFFFFF, v23  }
0x10e: {  	v20 =	vld [tilespmem:s16+$0x0];
	[tilespmem:$0x1FFC0] =	vst v23;
	v23 =	vsel vm2, v29, v27;
	v25 =	vsel vm0, $0xFFFFFFFF, v25;
	v12 =	vsel vm0, v31, v12  }
0x10f: {  	v18 =	vld [tilespmem:s30+$0x0];
	v61 =	vsel vm5, $0x5, v2;
	[tilespmem:$0x1FFD0] =	vst v25;
	vm2 =	vgt.f32 v12, v23;
	v25 =	vimm.s32 $0x0  }
0x110: {  	v22 =	vld [tilespmem:s16+$0x80];
	vm6 =	vgt.f32 v26, v24;
	vm0 =	vgt.f32 v19, v21;
	v25 =	vsel vm2, $0xFFFFFFFF, v25  }
0x111: {  	v19 =	vsel vm0, v19, v21;
	v12 =	vsel vm2, v12, v23;
	[tilespmem:$0x1FEA0] =	vst v25;
	v25 =	vimm.s32 $0x0  }
0x112: {  	v58 =	vsel vm7, v55, v52;
	v25 =	vsel vm0, $0xFFFFFFFF, v25;
	vm0 =	vgt.f32 v12, v19  }
0x113: {  	[tilespmem:$0x1FE90] =	vst v42;
	v62 =	vsel vm7, $0x7, v3;
	v23 =	vimm.s32 $0x0;
	v12 =	vsel vm0, v12, v19;
	v19 =	vld [tilespmem:$0x1FE70]  }
0x114: {  	v59 =	vsel vm6, $0x3, v1;
	v21 =	vsel vm15, v49, v48;
	[tilespmem:$0x1FFE0] =	vst v25;
	v23 =	vsel vm0, $0xFFFFFFFF, v23;
	v25 =	vld [tilespmem:$0x1FE90]  }
0x115: {  	vm4 =	vgt.f32 v22, v20;
	vm3 =	vgt.f32 v18, v17;
	[tilespmem:$0x1FFF0] =	vst v23;
	v23 =	vld [tilespmem:$0x1FE80];
	v12 =	vsub.f32 v12, v21  }
0x116: {  	v60 =	vsel vm3, $0xF, v7;
	v27 =	vsel vm3, v18, v17;
	v29 =	vsel vm6, v26, v24  }
0x117: {  	v31 =	vsel vm5, v30, v28;
	v21 =	vsel vm4, v22, v20;
	v12 =	vmul.f32 $1.442695020e+00, v12  }
0x118: {  	vm9 =	vgt.f32 v58, v31;
	vm8 =	vgt.f32 v29, v21;
	vm10 =	vnez.u8 v19  }
0x119: {  	[tilespmem:s14+$0x180] =	vst v8;
	v8 =	vpop (erf);
	vm12 =	vnez.u8 v25;
	(erf) = vpow2.f32 v12;
	v12 =	vsel vm8, v29, v21  }
0x11a: {  	v19 =	vsel vm10, v11, v10;
	vm11 =	vnez.u8 v23;
	v25 =	vsel vm12, v16, v15  }
0x11b: {  	v29 =	vsel vm12, $0xD, v6;
	v23 =	vsel vm11, v14, v13;
	vm2 =	vgt.f32 v27, v25  }
0x11c: {  	vm0 =	vgt.f32 v23, v19;
	v21 =	vsel vm2, v27, v25;
	v25 =	vsel vm9, v58, v31  }
0x11d: {  	v27 =	vsel vm11, $0xB, v5;
	v31 =	vsel vm4, $0x1, v0;
	v19 =	vsel vm0, v23, v19  }
0x11e: {  	v23 =	vsel vm10, $0x9, v4;
	vm11 =	vgt.f32 v25, v12;
	vm10 =	vgt.f32 v21, v19  }
0x11f: {  	v12 =	vsel vm11, v25, v12;
	v25 =	vsel vm8, v59, v31;
	v19 =	vsel vm10, v21, v19  }
0x120: {  	v21 =	vsel vm0, v27, v23;
	v23 =	vsel vm2, v60, v29;
	v27 =	vsel vm9, v62, v61  }
0x121: {  	vm0 =	vgt.f32 v19, v12;
	v25 =	vsel vm11, v27, v25;
	v21 =	vsel vm10, v23, v21  }
0x122: {  	v27 =	vadd.f32 $1.000000000e+00, v8;
	v21 =	vsel vm0, v21, v25  }
0x123: {  	v19 =	vsel vm0, v19, v12;
	v12 =	vsel vm1, $0x1, v0;
	vm0 =	veq.s32 v21, $0x0  }
0x124: {  	v63 =	vpop (erf);
	vm1 =	veq.s32 v21, $0x1;
	vm2 =	veq.s32 v21, $0x2;
	vm3 =	veq.s32 v21, $0x3  }
0x125: {  	vm4 =	veq.s32 v21, $0x4;
	vm5 =	veq.s32 v21, $0x5;
	v23 =	vadd.f32 $1.000000000e+00, v63  }
0x126: {  	vm6 =	veq.s32 v21, $0x6;
	vm7 =	veq.s32 v21, $0x7;
	vm8 =	veq.s32 v21, $0x8  }
0x127: {  	vm9 =	veq.s32 v21, $0x9;
	vm10 =	veq.s32 v21, $0xA;
	(erf) = vrcp.f32 v23  }
0x128: {  	vm11 =	veq.s32 v21, $0xB;
	vm14 =	veq.s32 v21, $0xC;
	vm15 =	veq.s32 v21, $0xD  }
0x129: {  	vm12 =	veq.s32 v21, $0xE;
	vm13 =	veq.s32 v21, $0xF;
	v25 =	vsel vm1, $0xFF800000, v22  }
0x12a: {  	v29 =	vsel vm2, $0xFF800000, v24;
	v31 =	vsel vm3, $0xFF800000, v26;
	v24 =	vsel vm4, $0xFF800000, v28  }
0x12b: {  	v26 =	vsel vm5, $0xFF800000, v30;
	v28 =	vsel vm6, $0xFF800000, v52;
	v32 =	vsel vm8, $0xFF800000, v10;
	v10 =	vld [tilespmem:$0x1FEA0]  }
0x12c: {  	p0 =	slt.u32 s11, $0x1E;
	[tilespmem:$0x1FFA0] =	vst v33;
	v30 =	vsel vm7, $0xFF800000, v55;
	v34 =	vsel vm9, $0xFF800000, v11;
	v33 =	vsel vm10, $0xFF800000, v13  }
.Ltmp0:
0x12d: {  	v14 =	vsel vm11, $0xFF800000, v14;
	v15 =	vsel vm14, $0xFF800000, v15;
	v11 =	vsel vm15, $0xFF800000, v16;
	(pc) =	sbr.rel @p0 .LBB2_2-.Ltmp0, $4  }
0x12e: {  	s31 =	sshll.u32 s11, $0x6;
	v16 =	vsel vm12, $0xFF800000, v17;
	v18 =	vsel vm13, $0xFF800000, v18;
	vm14 =	vgt.f32 v31, v29  }
0x12f: {  	s14 =	sand.u32 $0x3FFFFE00, s31;
	vm1 =	vgt.f32 v26, v24;
	vm2 =	vgt.f32 v30, v28;
	vm4 =	vgt.f32 v34, v32  }
0x130: {  	s14 =	sadd.s32 $0x2000, s14;
	vm3 =	vgt.f32 v14, v33;
	v23 =	vsel vm0, $0xFF800000, v20;
	vm13 =	vnez.u8 v10;
	v10 =	vpop (erf)  }
0x131: {  	s15 =	sor.u32 s12, s14;
	s14 =	sor.u32 s13, s14;
	vm15 =	vgt.f32 v11, v15;
	vm0 =	vgt.f32 v25, v23;
	v13 =	vmul.f32 v10, v63  }
0x132: {  	v17 =	vsel vm0, v25, v23;
	v20 =	vsel vm14, v31, v29  }
0x133: {  	v22 =	vsel vm1, v26, v24;
	v31 =	vsel vm2, v30, v28;
	v35 =	vsel vm4, v34, v32  }
0x134: {  	v14 =	vsel vm3, v14, v33;
	vm12 =	vgt.f32 v18, v16;
	v11 =	vsel vm15, v11, v15  }
0x135: {  	vm10 =	vgt.f32 v20, v17;
	v36 =	vsel vm12, v18, v16;
	vm11 =	vgt.f32 v31, v22  }
0x136: {  	vm8 =	vgt.f32 v14, v35;
	v37 =	vsel vm10, v20, v17;
	vm9 =	vgt.f32 v36, v11  }
0x137: {  	v38 =	vsel vm11, v31, v22;
	v14 =	vsel vm8, v14, v35;
	v11 =	vsel vm9, v36, v11  }
0x138: {  	vm5 =	vgt.f32 v38, v37;
	vm6 =	vgt.f32 v11, v14  }
0x139: {  	v39 =	vsel vm5, v38, v37;
	v11 =	vsel vm6, v11, v14  }
0x13a: {  	vm7 =	vgt.f32 v11, v39  }
0x13b: {  	v11 =	vsel vm7, v11, v39  }
0x13c: {  	v11 =	vsub.f32 v11, v19;
	_ =	sdelay $0x1  }
0x13d: {  	v11 =	vmul.f32 $1.442695020e+00, v11  }
0x13e: {  	(erf) = vrcp.f32 v27  }
0x13f: {  	(erf) = vpow2.f32 v11;
	_ =	sdelay $0x2  }
0x140: {  	v51 =	vld [tilespmem:$0x1FF30]  }
0x141: {  	v52 =	vld [tilespmem:$0x1FF40]  }
0x142: {  	v53 =	vld [tilespmem:$0x1FF50]  }
0x143: {  	v43 =	vsel vm0, $0x1, v0;
	v44 =	vsel vm14, $0x3, v1;
	v54 =	vld [tilespmem:$0x1FF60]  }
0x144: {  	v45 =	vsel vm1, $0x5, v2;
	v46 =	vsel vm2, $0x7, v3;
	v47 =	vsel vm4, $0x9, v4;
	v55 =	vld [tilespmem:$0x1FF70];
	[tilespmem:s14+$0x80] =	vst v13  }
0x145: {  	v48 =	vsel vm3, $0xB, v5;
	v49 =	vsel vm15, $0xD, v6;
	v50 =	vsel vm12, $0xF, v7;
	v13 =	vld [tilespmem:$0x1FF80];
	v40 =	vpop (erf)  }
0x146: {  	v16 =	vsel vm10, v44, v43;
	v56 =	vld [tilespmem:$0x1FF90];
	v18 =	vsel vm11, v46, v45;
	[tilespmem:s14+$0x0] =	vst v10;
	v57 =	vsel vm8, v48, v47;
	v41 =	vpop (erf)  }
0x147: {  	v58 =	vsel vm9, v50, v49;
	v59 =	vld [tilespmem:$0x1FFA0];
	[tilespmem:s15+$0x100] =	vst v21;
	v62 =	vsel vm5, v18, v16;
	v42 =	vadd.f32 $1.000000000e+00, v41  }
0x148: {  	v60 =	vld [tilespmem:$0x1FFB0];
	vm14 =	vnez.u8 v51;
	vm15 =	vnez.u8 v52;
	vm4 =	vnez.u8 v53  }
0x149: {  	v61 =	vld [tilespmem:$0x1FFC0];
	[tilespmem:s14+$0x100] =	vst v9;
	vm12 =	vnez.u8 v54;
	v8 =	vmul.f32 v40, v8;
	(erf) = vrcp.f32 v42  }
0x14a: {  	v9 =	vld [tilespmem:$0x1FFD0];
	v10 =	vsel vm6, v58, v57;
	v24 =	vsel vm14, $0x3, v1;
	v25 =	vsel vm15, $0x5, v2;
	[tilespmem:s10+$0x0] =	vst v40  }
0x14b: {  	v26 =	vsel vm4, $0x7, v3;
	v27 =	vsel vm12, $0x9, v4;
	vm14 =	vnez.u8 v55;
	v11 =	vld [tilespmem:$0x1FFE0];
	[tilespmem:s10+$0x80] =	vst v8  }
0x14c: {  	v28 =	vsel vm14, $0xB, v5;
	vm15 =	vnez.u8 v13;
	vm4 =	vnez.u8 v56;
	v8 =	vld [tilespmem:$0x1FFF0]  }
0x14d: {  	v10 =	vsel vm7, v10, v62;
	v13 =	vsel vm15, $0xD, v6;
	vm9 =	vnez.u8 v59  }
0x14e: {  	v17 =	vsel vm4, $0xF, v7;
	v12 =	vsel vm9, v24, v12;
	vm10 =	vnez.u8 v60  }
0x14f: {  	vm11 =	vnez.u8 v61;
	v19 =	vsel vm10, v26, v25;
	vm12 =	vnez.u8 v9  }
0x150: {  	v20 =	vsel vm11, v28, v27;
	v9 =	vsel vm12, v17, v13;
	vm14 =	vnez.u8 v11  }
0x151: {  	v9 =	vsel vm13, v9, v20;
	v11 =	vsel vm14, v19, v12;
	vm15 =	vnez.u8 v8  }
0x152: {  	[tilespmem:s15+$0x180] =	vst v10;
	v8 =	vsel vm15, v9, v11;
	v63 =	vpop (erf)  }
0x153: {  	s8 =	sadd.s32 $0x1, s8;
	[tilespmem:s14+$0x180] =	vst v8;
	v8 =	vmul.f32 v63, v41  }
0x154: {  	p0 =	sne.s32 s8, s5;
	[tilespmem:s15+$0x0] =	vst v63  }
.Ltmp1:
0x155: {  	[tilespmem:s15+$0x80] =	vst v8;
	(pc) =	sbr.rel @p0 .LBB2_1-.Ltmp1, $4  }
0x156: {  	[hbm4b:s4+s2] =	stream.linear.scatter [tilespmem:s7], [sflag:$0x1], $0x800, $0x38;
	[tilespmem:$0x2800] =	vst v63  }
0x157: {  	_ =	swait.ge [sflag:s6], $0x800  }
0x158: {  	[sflag:s6] =	ssyncset.done $0x0  }
0x159: {  	[sflag:s6] =	ssyncadd.s32 $0xFFFFF800  }
0x15a: {  	_ =	sfence.sel $0x180000  }
0x15b: {  	[bflag:$0x0] =	sbarrier.arrive $0xFFFF  }
0x15c: {  	p0 =	sne.s32 s1, $0x0;
	_ =	strace $0x90000047  }
0x15d: {  	s0 =	sadd.s32 @!p0 $0x100000, s0;
	[bflag:$0x2] =	sbarrier.arrive $0xFFFF  }
0x15e: {  	[sflag:s0] =	ssyncadd.tile.s32 @!p0 $0x1;
	_ =	shalt  }
.Lfunc_end2:
_tile_overlayer_lowered:
.L_overlay_start_2:
0x15f: {  	(tag) =	ssettag $0x2  }
0x160: {  	s0 =	rddreg [dreg:$0x0];
	s2 =	stileid.u32  }
0x161: {  	s1 =	rddreg [dreg:$0x1];
	p0 =	sne.s32 s2, $0x0  }
0x162: {  	s3 =	rddreg [dreg:$0x2];
	[bflag:$0x3] =	sbarrier.arrive $0xFFFF;
	s2 =	simm.s32 @!p0 $0x1C01  }
0x163: {  	[timem:s3], [sflag:s2] =	dma.local @!p0 [hbm:s0], s1  }
0x164: {  	s0 =	simm.s32 @!p0 $0x1  }
0x165: {  	_ =	swait.ge @!p0 [sflag:s0], s1  }
0x166: {  	s1 =	ssub.s32 @!p0 $0x0, s1;
	[sflag:s0] =	ssyncset.done @!p0 $0x0  }
0x167: {  	[sflag:s0] =	ssyncadd.s32 @!p0 s1  }
0x168: {  	[bflag:$0x3] =	sbarrier.arrive $0xFFFF  }
0x169: {  	_ =	shalt  }

</sc_bundles>
